<compile_context>
chip_gen: v7x
topology: tpu7x:2x2x1
jax: 0.10.2.dev20260603
libtpu: 0.0.44.dev20260713+nightly
codegen_flags: <defaults>
</compile_context>

<pallas_src>
import jax
import jax.numpy as jnp
from jax import lax
from jax.experimental import pallas as pl
from jax.experimental.pallas import tpu as pltpu
from jax.experimental.pallas import tpu_sc as plsc

NC = 2
NS = 16
NW = NC * NS
L = 16

N = 2097152
G = N // 128
RW = G // NW
CR = 32
NCHUNKS = RW // CR


def _rsqrt(x):
    i = lax.bitcast_convert_type(x, jnp.int32)
    i = jnp.int32(0x5F3759DF) - lax.shift_right_logical(i, 1)
    y = lax.bitcast_convert_type(i, jnp.float32)
    for _ in range(3):
        y = y * (1.5 - 0.5 * x * y * y)
    return y


def _sc_body(x_hbm, y_hbm, z_hbm,
             ox_hbm, oy_hbm, oz_hbm, nx_hbm, ny_hbm, nz_hbm, mk_hbm,
             *sbuf):
    c = lax.axis_index("c")
    s = lax.axis_index("s")
    wid = s * NC + c
    base_r = wid * RW

    in_hbm = (x_hbm, y_hbm, z_hbm)
    out_hbm = (ox_hbm, oy_hbm, oz_hbm, nx_hbm, ny_hbm, nz_hbm, mk_hbm)
    inb = (sbuf[0:3], sbuf[10:13])
    outb = (sbuf[3:10], sbuf[13:20])
    in_s = sbuf[20:22]
    out_s = sbuf[22:24]

    def start_in(k, b):
        off = base_r + k * CR
        for h, v in zip(in_hbm, inb[b]):
            pltpu.async_copy(h.at[pl.ds(off, CR)], v, in_s[b])

    def wait_in(k, b):
        off = base_r + k * CR
        for h, v in zip(in_hbm, inb[b]):
            pltpu.make_async_copy(h.at[pl.ds(off, CR)], v, in_s[b]).wait()

    def start_out(k, b):
        off = base_r + k * CR
        for v, h in zip(outb[b], out_hbm):
            pltpu.async_copy(v, h.at[pl.ds(off, CR)], out_s[b])

    def drain_out(k, b):
        off = base_r + k * CR
        for v, h in zip(outb[b], out_hbm):
            pltpu.make_async_copy(v, h.at[pl.ds(off, CR)], out_s[b]).wait()

    start_in(0, 0)

    def do_pair(k2, carry):
        for b in range(2):
            k = k2 * 2 + b

            @pl.when(k + 1 < NCHUNKS)
            def _():
                start_in(k + 1, 1 - b)

            wait_in(k, b)

            @pl.when(k >= 2)
            def _():
                drain_out(k - 2, b)

            x_v, y_v, z_v = inb[b]
            ox_v, oy_v, oz_v, nx_v, ny_v, nz_v, mk_v = outb[b]

            @plsc.parallel_loop(0, CR * 8, step=1, unroll=8)
            def do_group(g):
                r = g // 8
                col = (g % 8) * L
                x = x_v[r, pl.ds(col, L)]
                y = y_v[r, pl.ds(col, L)]
                z = z_v[r, pl.ds(col, L)]
                r2 = x * x + y * y + z * z
                inv_r = _rsqrt(r2)
                sc = jnp.minimum(jnp.float32(1.0), 2.0 * inv_r - 1.0)
                ox_v[r, pl.ds(col, L)] = x * sc
                oy_v[r, pl.ds(col, L)] = y * sc
                oz_v[r, pl.ds(col, L)] = z * sc
                nx_v[r, pl.ds(col, L)] = x * inv_r
                ny_v[r, pl.ds(col, L)] = y * inv_r
                nz_v[r, pl.ds(col, L)] = z * inv_r
                mk_v[r, pl.ds(col, L)] = (r2 > 1.0).astype(jnp.int32)

            start_out(k, b)
        return carry

    lax.fori_loop(0, NCHUNKS // 2, do_pair, 0)
    drain_out(NCHUNKS - 2, 0)
    drain_out(NCHUNKS - 1, 1)


def _run(x, y, z):
    mesh = plsc.VectorSubcoreMesh(core_axis_name="c", subcore_axis_name="s")
    f = jax.ShapeDtypeStruct((G, 128), jnp.float32)
    return pl.kernel(
        _sc_body,
        out_type=[f, f, f, f, f, f, jax.ShapeDtypeStruct((G, 128), jnp.int32)],
        mesh=mesh,
        compiler_params=pltpu.CompilerParams(
            needs_layout_passes=False, use_tc_tiling_on_sc=False
        ),
        scratch_types=(
            [pltpu.VMEM((CR, 128), jnp.float32)] * 9
            + [pltpu.VMEM((CR, 128), jnp.int32)]
        ) * 2
        + [pltpu.SemaphoreType.DMA] * 4,
    )(x, y, z)


@jax.jit
def _full(xt):
    x2 = xt[:, 0].reshape(G, 128)
    y2 = xt[:, 1].reshape(G, 128)
    z2 = xt[:, 2].reshape(G, 128)
    ox, oy, oz, nx, ny, nz, mk = _run(x2, y2, z2)
    out_xt = jnp.stack(
        [ox.reshape(-1), oy.reshape(-1), oz.reshape(-1)], axis=1
    )
    nb = jnp.stack(
        [nx.reshape(-1), ny.reshape(-1), nz.reshape(-1)], axis=1
    )
    return out_xt, nb, mk.reshape(-1).astype(bool)


def kernel(xt):
    return _full(xt)

# --- scband reference (transcript-rebuilt; emitter-appended) ---
"""Pipeline reference for scband-beehive-3616362463452 (READ-ONLY COPY).

The authoritative reference and input builder live on the scoring server;
editing this copy changes nothing except your own understanding.
"""

import jax, jax.numpy as jnp
import numpy as np

# Concrete boundary oracle self.xb: unit-sphere domain.
# Returns (boundary point xb, inward-pointing data via outward normal nb, inside-mask in_ornot)

def _xb_sphere(xt):
    r = jnp.linalg.norm(xt, axis=1, keepdims=True)
    in_ornot = (r[:, 0] <= 1.0)
    safe_r = jnp.maximum(r, 1e-12)
    xb_pts = xt / safe_r            # radial projection onto the sphere
    nb = xb_pts                      # outward unit normal at the boundary point
    return xb_pts, nb, in_ornot


def setup_inputs(seed: int = 0) -> dict:
    key = jax.random.key(seed)
    # randn in 3D -> typical norm ~1.6, so a large fraction of points lie outside
    # the unit ball and trigger the reflection (scatter) branch.
    xt = jax.random.normal(key, (2097152, 3), dtype=jnp.float32)
    return {"xt": xt}


def reference(xt):
    # Faithful translation of Beehive.go_back:
    #   xt[~in] = xt[~in] + 2*((xb[~in]-xt[~in]) . (-nb[~in])).sum(1,keepdim) * (-nb[~in])
    # Masked in-place write is expressed as jnp.where over rows (scatter-overwrite semantics).
    xb_pts, nb, in_ornot = _xb_sphere(xt)
    neg_nb = -nb
    dot = jnp.sum((xb_pts - xt) * neg_nb, axis=1, keepdims=True)
    reflected = xt + 2.0 * dot * neg_nb
    out_xt = jnp.where(in_ornot[:, None], xt, reflected)
    return (out_xt, nb, jnp.logical_not(in_ornot))

if __name__ == "__main__":
    import jax
    _d = setup_inputs()
    print(jax.jit(kernel)(*tuple(_d.values())))

</pallas_src>

<mosaic_0001>
#map = affine_map<(d0, d1) -> (0, 0)>
module attributes {stable_mosaic.version = 14 : i64} {
  func.func @_sc_body(%arg0: i32, %arg1: i32, %arg2: memref<16384x128xf32, #tpu.memory_space<hbm>>, %arg3: memref<16384x128xf32, #tpu.memory_space<hbm>>, %arg4: memref<16384x128xf32, #tpu.memory_space<hbm>>, %arg5: memref<16384x128xf32, #tpu.memory_space<hbm>>, %arg6: memref<16384x128xf32, #tpu.memory_space<hbm>>, %arg7: memref<16384x128xf32, #tpu.memory_space<hbm>>, %arg8: memref<16384x128xf32, #tpu.memory_space<hbm>>, %arg9: memref<16384x128xf32, #tpu.memory_space<hbm>>, %arg10: memref<16384x128xf32, #tpu.memory_space<hbm>>, %arg11: memref<16384x128xi32, #tpu.memory_space<hbm>>, %arg12: memref<32x128xf32, #tpu.memory_space<vmem>>, %arg13: memref<32x128xf32, #tpu.memory_space<vmem>>, %arg14: memref<32x128xf32, #tpu.memory_space<vmem>>, %arg15: memref<32x128xf32, #tpu.memory_space<vmem>>, %arg16: memref<32x128xf32, #tpu.memory_space<vmem>>, %arg17: memref<32x128xf32, #tpu.memory_space<vmem>>, %arg18: memref<32x128xf32, #tpu.memory_space<vmem>>, %arg19: memref<32x128xf32, #tpu.memory_space<vmem>>, %arg20: memref<32x128xf32, #tpu.memory_space<vmem>>, %arg21: memref<32x128xi32, #tpu.memory_space<vmem>>, %arg22: memref<32x128xf32, #tpu.memory_space<vmem>>, %arg23: memref<32x128xf32, #tpu.memory_space<vmem>>, %arg24: memref<32x128xf32, #tpu.memory_space<vmem>>, %arg25: memref<32x128xf32, #tpu.memory_space<vmem>>, %arg26: memref<32x128xf32, #tpu.memory_space<vmem>>, %arg27: memref<32x128xf32, #tpu.memory_space<vmem>>, %arg28: memref<32x128xf32, #tpu.memory_space<vmem>>, %arg29: memref<32x128xf32, #tpu.memory_space<vmem>>, %arg30: memref<32x128xf32, #tpu.memory_space<vmem>>, %arg31: memref<32x128xi32, #tpu.memory_space<vmem>>, %arg32: memref<!tpu.dma_semaphore, #tpu.memory_space<semaphore_mem>>, %arg33: memref<!tpu.dma_semaphore, #tpu.memory_space<semaphore_mem>>, %arg34: memref<!tpu.dma_semaphore, #tpu.memory_space<semaphore_mem>>, %arg35: memref<!tpu.dma_semaphore, #tpu.memory_space<semaphore_mem>>) attributes {dimension_semantics = [#tpu.dimension_semantics<core_parallel>, #tpu.dimension_semantics<subcore_parallel>], iteration_bounds = array<i64: 2, 16>, scalar_prefetch = 0 : i64, scratch_operands = 24 : i64, tpu.core_type = #tpu.core_type<sc_vector_subcore>, window_params = [{transform_indices = #map}, {transform_indices = #map}, {transform_indices = #map}, {transform_indices = #map}, {transform_indices = #map}, {transform_indices = #map}, {transform_indices = #map}, {transform_indices = #map}, {transform_indices = #map}, {transform_indices = #map}]} {
    %mul3A = arith.constant 2 : i32
    %mul3A_0 = arith.muli %arg1, %mul3A : i32
    %add3A = arith.addi %mul3A_0, %arg0 : i32
    %mul3A_1 = arith.constant 512 : i32
    %mul3A_2 = arith.muli %add3A, %mul3A_1 : i32
    %add3A_3 = arith.constant 0 : i32
    %add3A_4 = arith.addi %mul3A_2, %add3A_3 : i32
    %dma_start3A = arith.constant 0 : i32
    %dma_start3A_5 = tpu.memref_slice %arg2[%add3A_4, %dma_start3A] : memref<16384x128xf32, #tpu.memory_space<hbm>> -> memref<32x128xf32, #tpu.memory_space<hbm>>
    %dma_start3A_6 = arith.constant 0 : i32
    %dma_start3A_7 = tpu.memref_slice %arg2[%add3A_4, %dma_start3A_6] : memref<16384x128xf32, #tpu.memory_space<hbm>> -> memref<32x128xf32, #tpu.memory_space<hbm>>
    tpu.enqueue_dma source(%dma_start3A_7 : memref<32x128xf32, #tpu.memory_space<hbm>>) target(%arg12 : memref<32x128xf32, #tpu.memory_space<vmem>>) target_semaphore(%arg32 : memref<!tpu.dma_semaphore, #tpu.memory_space<semaphore_mem>>)
    %dma_start3A_8 = arith.constant 0 : i32
    %dma_start3A_9 = tpu.memref_slice %arg3[%add3A_4, %dma_start3A_8] : memref<16384x128xf32, #tpu.memory_space<hbm>> -> memref<32x128xf32, #tpu.memory_space<hbm>>
    %dma_start3A_10 = arith.constant 0 : i32
    %dma_start3A_11 = tpu.memref_slice %arg3[%add3A_4, %dma_start3A_10] : memref<16384x128xf32, #tpu.memory_space<hbm>> -> memref<32x128xf32, #tpu.memory_space<hbm>>
    tpu.enqueue_dma source(%dma_start3A_11 : memref<32x128xf32, #tpu.memory_space<hbm>>) target(%arg13 : memref<32x128xf32, #tpu.memory_space<vmem>>) target_semaphore(%arg32 : memref<!tpu.dma_semaphore, #tpu.memory_space<semaphore_mem>>)
    %dma_start3A_12 = arith.constant 0 : i32
    %dma_start3A_13 = tpu.memref_slice %arg4[%add3A_4, %dma_start3A_12] : memref<16384x128xf32, #tpu.memory_space<hbm>> -> memref<32x128xf32, #tpu.memory_space<hbm>>
    %dma_start3A_14 = arith.constant 0 : i32
    %dma_start3A_15 = tpu.memref_slice %arg4[%add3A_4, %dma_start3A_14] : memref<16384x128xf32, #tpu.memory_space<hbm>> -> memref<32x128xf32, #tpu.memory_space<hbm>>
    tpu.enqueue_dma source(%dma_start3A_15 : memref<32x128xf32, #tpu.memory_space<hbm>>) target(%arg14 : memref<32x128xf32, #tpu.memory_space<vmem>>) target_semaphore(%arg32 : memref<!tpu.dma_semaphore, #tpu.memory_space<semaphore_mem>>)
    %scan3A = arith.constant 0 : i32
    %scan3A_16 = arith.constant 0 : i32
    %scan3A_17 = arith.constant 8 : i32
    %scan3A_18 = arith.addi %scan3A_16, %scan3A_17 : i32
    %scan3A_19 = arith.constant 1 : i32
    scf.for %scan3A_80 = %scan3A_16 to %scan3A_18 step %scan3A_19  : i32 {
      %mul3A_81 = arith.constant 2 : i32
      %mul3A_82 = arith.muli %scan3A_80, %mul3A_81 : i32
      %add3A_83 = arith.constant 0 : i32
      %add3A_84 = arith.addi %mul3A_82, %add3A_83 : i32
      %add3A_85 = arith.constant 1 : i32
      %add3A_86 = arith.addi %add3A_84, %add3A_85 : i32
      %lt3A = arith.constant 16 : i32
      %lt3A_87 = arith.cmpi slt, %add3A_86, %lt3A : i32
      %convert_element_type3A = arith.extui %lt3A_87 : i1 to i32
      %cond3A = arith.constant 0 : i32
      %cond3A_88 = arith.cmpi ne, %convert_element_type3A, %cond3A : i32
      scf.if %cond3A_88 {
        %add3A_206 = arith.constant 1 : i32
        %add3A_207 = arith.addi %add3A_84, %add3A_206 : i32
        %mul3A_208 = arith.constant 32 : i32
        %mul3A_209 = arith.muli %add3A_207, %mul3A_208 : i32
        %add3A_210 = arith.addi %mul3A_2, %mul3A_209 : i32
        %dma_start3A_211 = arith.constant 0 : i32
        %dma_start3A_212 = tpu.memref_slice %arg2[%add3A_210, %dma_start3A_211] : memref<16384x128xf32, #tpu.memory_space<hbm>> -> memref<32x128xf32, #tpu.memory_space<hbm>>
        %dma_start3A_213 = arith.constant 0 : i32
        %dma_start3A_214 = tpu.memref_slice %arg2[%add3A_210, %dma_start3A_213] : memref<16384x128xf32, #tpu.memory_space<hbm>> -> memref<32x128xf32, #tpu.memory_space<hbm>>
        tpu.enqueue_dma source(%dma_start3A_214 : memref<32x128xf32, #tpu.memory_space<hbm>>) target(%arg22 : memref<32x128xf32, #tpu.memory_space<vmem>>) target_semaphore(%arg33 : memref<!tpu.dma_semaphore, #tpu.memory_space<semaphore_mem>>)
        %dma_start3A_215 = arith.constant 0 : i32
        %dma_start3A_216 = tpu.memref_slice %arg3[%add3A_210, %dma_start3A_215] : memref<16384x128xf32, #tpu.memory_space<hbm>> -> memref<32x128xf32, #tpu.memory_space<hbm>>
        %dma_start3A_217 = arith.constant 0 : i32
        %dma_start3A_218 = tpu.memref_slice %arg3[%add3A_210, %dma_start3A_217] : memref<16384x128xf32, #tpu.memory_space<hbm>> -> memref<32x128xf32, #tpu.memory_space<hbm>>
        tpu.enqueue_dma source(%dma_start3A_218 : memref<32x128xf32, #tpu.memory_space<hbm>>) target(%arg23 : memref<32x128xf32, #tpu.memory_space<vmem>>) target_semaphore(%arg33 : memref<!tpu.dma_semaphore, #tpu.memory_space<semaphore_mem>>)
        %dma_start3A_219 = arith.constant 0 : i32
        %dma_start3A_220 = tpu.memref_slice %arg4[%add3A_210, %dma_start3A_219] : memref<16384x128xf32, #tpu.memory_space<hbm>> -> memref<32x128xf32, #tpu.memory_space<hbm>>
        %dma_start3A_221 = arith.constant 0 : i32
        %dma_start3A_222 = tpu.memref_slice %arg4[%add3A_210, %dma_start3A_221] : memref<16384x128xf32, #tpu.memory_space<hbm>> -> memref<32x128xf32, #tpu.memory_space<hbm>>
        tpu.enqueue_dma source(%dma_start3A_222 : memref<32x128xf32, #tpu.memory_space<hbm>>) target(%arg24 : memref<32x128xf32, #tpu.memory_space<vmem>>) target_semaphore(%arg33 : memref<!tpu.dma_semaphore, #tpu.memory_space<semaphore_mem>>)
      } else {
      }
      %mul3A_89 = arith.constant 32 : i32
      %mul3A_90 = arith.muli %add3A_84, %mul3A_89 : i32
      %add3A_91 = arith.addi %mul3A_2, %mul3A_90 : i32
      %dma_wait3A_92 = arith.constant 0 : i32
      %dma_wait3A_93 = tpu.memref_slice %arg2[%add3A_91, %dma_wait3A_92] : memref<16384x128xf32, #tpu.memory_space<hbm>> -> memref<32x128xf32, #tpu.memory_space<hbm>>
      %dma_wait3A_94 = arith.constant 0 : i32
      %dma_wait3A_95 = tpu.memref_slice %arg2[%add3A_91, %dma_wait3A_94] : memref<16384x128xf32, #tpu.memory_space<hbm>> -> memref<32x128xf32, #tpu.memory_space<hbm>>
      tpu.wait_dma2 semaphore(%arg32 : memref<!tpu.dma_semaphore, #tpu.memory_space<semaphore_mem>>) src(%dma_wait3A_95 : memref<32x128xf32, #tpu.memory_space<hbm>>) dst(%arg12 : memref<32x128xf32, #tpu.memory_space<vmem>>)
      %dma_wait3A_96 = arith.constant 0 : i32
      %dma_wait3A_97 = tpu.memref_slice %arg3[%add3A_91, %dma_wait3A_96] : memref<16384x128xf32, #tpu.memory_space<hbm>> -> memref<32x128xf32, #tpu.memory_space<hbm>>
      %dma_wait3A_98 = arith.constant 0 : i32
      %dma_wait3A_99 = tpu.memref_slice %arg3[%add3A_91, %dma_wait3A_98] : memref<16384x128xf32, #tpu.memory_space<hbm>> -> memref<32x128xf32, #tpu.memory_space<hbm>>
      tpu.wait_dma2 semaphore(%arg32 : memref<!tpu.dma_semaphore, #tpu.memory_space<semaphore_mem>>) src(%dma_wait3A_99 : memref<32x128xf32, #tpu.memory_space<hbm>>) dst(%arg13 : memref<32x128xf32, #tpu.memory_space<vmem>>)
      %dma_wait3A_100 = arith.constant 0 : i32
      %dma_wait3A_101 = tpu.memref_slice %arg4[%add3A_91, %dma_wait3A_100] : memref<16384x128xf32, #tpu.memory_space<hbm>> -> memref<32x128xf32, #tpu.memory_space<hbm>>
      %dma_wait3A_102 = arith.constant 0 : i32
      %dma_wait3A_103 = tpu.memref_slice %arg4[%add3A_91, %dma_wait3A_102] : memref<16384x128xf32, #tpu.memory_space<hbm>> -> memref<32x128xf32, #tpu.memory_space<hbm>>
      tpu.wait_dma2 semaphore(%arg32 : memref<!tpu.dma_semaphore, #tpu.memory_space<semaphore_mem>>) src(%dma_wait3A_103 : memref<32x128xf32, #tpu.memory_space<hbm>>) dst(%arg14 : memref<32x128xf32, #tpu.memory_space<vmem>>)
      %ge3A = arith.constant 2 : i32
      %ge3A_104 = arith.cmpi sge, %add3A_84, %ge3A : i32
      %convert_element_type3A_105 = arith.extui %ge3A_104 : i1 to i32
      %cond3A_106 = arith.constant 0 : i32
      %cond3A_107 = arith.cmpi ne, %convert_element_type3A_105, %cond3A_106 : i32
      scf.if %cond3A_107 {
        %sub3A = arith.constant 2 : i32
        %sub3A_206 = arith.subi %add3A_84, %sub3A : i32
        %mul3A_207 = arith.constant 32 : i32
        %mul3A_208 = arith.muli %sub3A_206, %mul3A_207 : i32
        %add3A_209 = arith.addi %mul3A_2, %mul3A_208 : i32
        %dma_wait3A_210 = arith.constant 0 : i32
        %dma_wait3A_211 = tpu.memref_slice %arg5[%add3A_209, %dma_wait3A_210] : memref<16384x128xf32, #tpu.memory_space<hbm>> -> memref<32x128xf32, #tpu.memory_space<hbm>>
        %dma_wait3A_212 = arith.constant 0 : i32
        %dma_wait3A_213 = tpu.memref_slice %arg5[%add3A_209, %dma_wait3A_212] : memref<16384x128xf32, #tpu.memory_space<hbm>> -> memref<32x128xf32, #tpu.memory_space<hbm>>
        tpu.wait_dma2 semaphore(%arg34 : memref<!tpu.dma_semaphore, #tpu.memory_space<semaphore_mem>>) src(%arg15 : memref<32x128xf32, #tpu.memory_space<vmem>>) dst(%dma_wait3A_213 : memref<32x128xf32, #tpu.memory_space<hbm>>)
        %dma_wait3A_214 = arith.constant 0 : i32
        %dma_wait3A_215 = tpu.memref_slice %arg6[%add3A_209, %dma_wait3A_214] : memref<16384x128xf32, #tpu.memory_space<hbm>> -> memref<32x128xf32, #tpu.memory_space<hbm>>
        %dma_wait3A_216 = arith.constant 0 : i32
        %dma_wait3A_217 = tpu.memref_slice %arg6[%add3A_209, %dma_wait3A_216] : memref<16384x128xf32, #tpu.memory_space<hbm>> -> memref<32x128xf32, #tpu.memory_space<hbm>>
        tpu.wait_dma2 semaphore(%arg34 : memref<!tpu.dma_semaphore, #tpu.memory_space<semaphore_mem>>) src(%arg16 : memref<32x128xf32, #tpu.memory_space<vmem>>) dst(%dma_wait3A_217 : memref<32x128xf32, #tpu.memory_space<hbm>>)
        %dma_wait3A_218 = arith.constant 0 : i32
        %dma_wait3A_219 = tpu.memref_slice %arg7[%add3A_209, %dma_wait3A_218] : memref<16384x128xf32, #tpu.memory_space<hbm>> -> memref<32x128xf32, #tpu.memory_space<hbm>>
        %dma_wait3A_220 = arith.constant 0 : i32
        %dma_wait3A_221 = tpu.memref_slice %arg7[%add3A_209, %dma_wait3A_220] : memref<16384x128xf32, #tpu.memory_space<hbm>> -> memref<32x128xf32, #tpu.memory_space<hbm>>
        tpu.wait_dma2 semaphore(%arg34 : memref<!tpu.dma_semaphore, #tpu.memory_space<semaphore_mem>>) src(%arg17 : memref<32x128xf32, #tpu.memory_space<vmem>>) dst(%dma_wait3A_221 : memref<32x128xf32, #tpu.memory_space<hbm>>)
        %dma_wait3A_222 = arith.constant 0 : i32
        %dma_wait3A_223 = tpu.memref_slice %arg8[%add3A_209, %dma_wait3A_222] : memref<16384x128xf32, #tpu.memory_space<hbm>> -> memref<32x128xf32, #tpu.memory_space<hbm>>
        %dma_wait3A_224 = arith.constant 0 : i32
        %dma_wait3A_225 = tpu.memref_slice %arg8[%add3A_209, %dma_wait3A_224] : memref<16384x128xf32, #tpu.memory_space<hbm>> -> memref<32x128xf32, #tpu.memory_space<hbm>>
        tpu.wait_dma2 semaphore(%arg34 : memref<!tpu.dma_semaphore, #tpu.memory_space<semaphore_mem>>) src(%arg18 : memref<32x128xf32, #tpu.memory_space<vmem>>) dst(%dma_wait3A_225 : memref<32x128xf32, #tpu.memory_space<hbm>>)
        %dma_wait3A_226 = arith.constant 0 : i32
        %dma_wait3A_227 = tpu.memref_slice %arg9[%add3A_209, %dma_wait3A_226] : memref<16384x128xf32, #tpu.memory_space<hbm>> -> memref<32x128xf32, #tpu.memory_space<hbm>>
        %dma_wait3A_228 = arith.constant 0 : i32
        %dma_wait3A_229 = tpu.memref_slice %arg9[%add3A_209, %dma_wait3A_228] : memref<16384x128xf32, #tpu.memory_space<hbm>> -> memref<32x128xf32, #tpu.memory_space<hbm>>
        tpu.wait_dma2 semaphore(%arg34 : memref<!tpu.dma_semaphore, #tpu.memory_space<semaphore_mem>>) src(%arg19 : memref<32x128xf32, #tpu.memory_space<vmem>>) dst(%dma_wait3A_229 : memref<32x128xf32, #tpu.memory_space<hbm>>)
        %dma_wait3A_230 = arith.constant 0 : i32
        %dma_wait3A_231 = tpu.memref_slice %arg10[%add3A_209, %dma_wait3A_230] : memref<16384x128xf32, #tpu.memory_space<hbm>> -> memref<32x128xf32, #tpu.memory_space<hbm>>
        %dma_wait3A_232 = arith.constant 0 : i32
        %dma_wait3A_233 = tpu.memref_slice %arg10[%add3A_209, %dma_wait3A_232] : memref<16384x128xf32, #tpu.memory_space<hbm>> -> memref<32x128xf32, #tpu.memory_space<hbm>>
        tpu.wait_dma2 semaphore(%arg34 : memref<!tpu.dma_semaphore, #tpu.memory_space<semaphore_mem>>) src(%arg20 : memref<32x128xf32, #tpu.memory_space<vmem>>) dst(%dma_wait3A_233 : memref<32x128xf32, #tpu.memory_space<hbm>>)
        %dma_wait3A_234 = arith.constant 0 : i32
        %dma_wait3A_235 = tpu.memref_slice %arg11[%add3A_209, %dma_wait3A_234] : memref<16384x128xi32, #tpu.memory_space<hbm>> -> memref<32x128xi32, #tpu.memory_space<hbm>>
        %dma_wait3A_236 = arith.constant 0 : i32
        %dma_wait3A_237 = tpu.memref_slice %arg11[%add3A_209, %dma_wait3A_236] : memref<16384x128xi32, #tpu.memory_space<hbm>> -> memref<32x128xi32, #tpu.memory_space<hbm>>
        tpu.wait_dma2 semaphore(%arg34 : memref<!tpu.dma_semaphore, #tpu.memory_space<semaphore_mem>>) src(%arg21 : memref<32x128xi32, #tpu.memory_space<vmem>>) dst(%dma_wait3A_237 : memref<32x128xi32, #tpu.memory_space<hbm>>)
      } else {
      }
      %parallel_loop3A = arith.constant 0 : i32
      %parallel_loop3A_108 = arith.constant 256 : i32
      %parallel_loop3A_109 = arith.constant 1 : i32
      scf.for %parallel_loop3A_206 = %parallel_loop3A to %parallel_loop3A_108 step %parallel_loop3A_109  : i32 {
        %parallel_loop3A_207 = arith.constant 8 : i32
        %parallel_loop3A_208 = arith.divsi %parallel_loop3A_206, %parallel_loop3A_207 : i32
        %parallel_loop3A_209 = arith.constant 0 : i32
        %parallel_loop3A_210 = arith.cmpi sgt, %parallel_loop3A_206, %parallel_loop3A_209 : i32
        %parallel_loop3A_211 = arith.extui %parallel_loop3A_210 : i1 to i32
        %parallel_loop3A_212 = arith.constant 0 : i32
        %parallel_loop3A_213 = arith.cmpi slt, %parallel_loop3A_206, %parallel_loop3A_212 : i32
        %parallel_loop3A_214 = arith.extui %parallel_loop3A_213 : i1 to i32
        %parallel_loop3A_215 = arith.subi %parallel_loop3A_211, %parallel_loop3A_214 : i32
        %parallel_loop3A_216 = arith.constant 0 : i32
        %parallel_loop3A_217 = arith.cmpi sgt, %parallel_loop3A_207, %parallel_loop3A_216 : i32
        %parallel_loop3A_218 = arith.extui %parallel_loop3A_217 : i1 to i32
        %parallel_loop3A_219 = arith.constant 0 : i32
        %parallel_loop3A_220 = arith.cmpi slt, %parallel_loop3A_207, %parallel_loop3A_219 : i32
        %parallel_loop3A_221 = arith.extui %parallel_loop3A_220 : i1 to i32
        %parallel_loop3A_222 = arith.subi %parallel_loop3A_218, %parallel_loop3A_221 : i32
        %parallel_loop3A_223 = arith.cmpi ne, %parallel_loop3A_215, %parallel_loop3A_222 : i32
        %parallel_loop3A_224 = arith.remsi %parallel_loop3A_206, %parallel_loop3A_207 : i32
        %parallel_loop3A_225 = arith.constant 0 : i32
        %parallel_loop3A_226 = arith.cmpi ne, %parallel_loop3A_224, %parallel_loop3A_225 : i32
        %parallel_loop3A_227 = arith.andi %parallel_loop3A_223, %parallel_loop3A_226 : i1
        %parallel_loop3A_228 = arith.constant 1 : i32
        %parallel_loop3A_229 = arith.subi %parallel_loop3A_208, %parallel_loop3A_228 : i32
        %parallel_loop3A_230 = arith.select %parallel_loop3A_227, %parallel_loop3A_229, %parallel_loop3A_208 : i32
        %parallel_loop3A_231 = arith.constant 8 : i32
        %parallel_loop3A_232 = arith.constant 0 : i32
        %parallel_loop3A_233 = arith.cmpi eq, %parallel_loop3A_231, %parallel_loop3A_232 : i32
        %parallel_loop3A_234 = arith.constant 1 : i32
        %parallel_loop3A_235 = arith.select %parallel_loop3A_233, %parallel_loop3A_234, %parallel_loop3A_231 : i32
        %parallel_loop3A_236 = arith.remsi %parallel_loop3A_206, %parallel_loop3A_235 : i32
        %parallel_loop3A_237 = arith.constant 0 : i32
        %parallel_loop3A_238 = arith.cmpi ne, %parallel_loop3A_236, %parallel_loop3A_237 : i32
        %parallel_loop3A_239 = arith.constant 0 : i32
        %parallel_loop3A_240 = arith.cmpi slt, %parallel_loop3A_236, %parallel_loop3A_239 : i32
        %parallel_loop3A_241 = arith.constant 0 : i32
        %parallel_loop3A_242 = arith.cmpi slt, %parallel_loop3A_235, %parallel_loop3A_241 : i32
        %parallel_loop3A_243 = arith.xori %parallel_loop3A_240, %parallel_loop3A_242 : i1
        %parallel_loop3A_244 = arith.andi %parallel_loop3A_243, %parallel_loop3A_238 : i1
        %parallel_loop3A_245 = arith.addi %parallel_loop3A_236, %parallel_loop3A_235 : i32
        %parallel_loop3A_246 = arith.select %parallel_loop3A_244, %parallel_loop3A_245, %parallel_loop3A_236 : i32
        %parallel_loop3A_247 = arith.constant 16 : i32
        %parallel_loop3A_248 = arith.muli %parallel_loop3A_246, %parallel_loop3A_247 : i32
        %parallel_loop3A_249 = arith.index_cast %parallel_loop3A_230 : i32 to index
        %parallel_loop3A_250 = arith.index_cast %parallel_loop3A_248 : i32 to index
        %parallel_loop3A_251 = tpu.vector_load %arg12[%parallel_loop3A_249, %parallel_loop3A_250] {strides = array<i32>} : memref<32x128xf32, #tpu.memory_space<vmem>>, vector<16xf32>,
        %parallel_loop3A_252 = arith.index_cast %parallel_loop3A_230 : i32 to index
        %parallel_loop3A_253 = arith.index_cast %parallel_loop3A_248 : i32 to index
        %parallel_loop3A_254 = tpu.vector_load %arg13[%parallel_loop3A_252, %parallel_loop3A_253] {strides = array<i32>} : memref<32x128xf32, #tpu.memory_space<vmem>>, vector<16xf32>,
        %parallel_loop3A_255 = arith.index_cast %parallel_loop3A_230 : i32 to index
        %parallel_loop3A_256 = arith.index_cast %parallel_loop3A_248 : i32 to index
        %parallel_loop3A_257 = tpu.vector_load %arg14[%parallel_loop3A_255, %parallel_loop3A_256] {strides = array<i32>} : memref<32x128xf32, #tpu.memory_space<vmem>>, vector<16xf32>,
        %parallel_loop3A_258 = arith.mulf %parallel_loop3A_251, %parallel_loop3A_251 : vector<16xf32>
        %parallel_loop3A_259 = arith.mulf %parallel_loop3A_254, %parallel_loop3A_254 : vector<16xf32>
        %parallel_loop3A_260 = arith.addf %parallel_loop3A_258, %parallel_loop3A_259 : vector<16xf32>
        %parallel_loop3A_261 = arith.mulf %parallel_loop3A_257, %parallel_loop3A_257 : vector<16xf32>
        %parallel_loop3A_262 = arith.addf %parallel_loop3A_260, %parallel_loop3A_261 : vector<16xf32>
        %parallel_loop3A_263 = tpu.bitcast %parallel_loop3A_262 : vector<16xf32> -> vector<16xi32>
        %parallel_loop3A_264 = arith.constant 1 : i32
        %parallel_loop3A_265 = vector.broadcast %parallel_loop3A_264 : i32 to vector<16xi32>
        %parallel_loop3A_266 = arith.shrui %parallel_loop3A_263, %parallel_loop3A_265 : vector<16xi32>
        %parallel_loop3A_267 = arith.constant 1597463007 : i32
        %parallel_loop3A_268 = vector.broadcast %parallel_loop3A_267 : i32 to vector<16xi32>
        %parallel_loop3A_269 = arith.subi %parallel_loop3A_268, %parallel_loop3A_266 : vector<16xi32>
        %parallel_loop3A_270 = tpu.bitcast %parallel_loop3A_269 : vector<16xi32> -> vector<16xf32>
        %parallel_loop3A_271 = arith.constant 5.000000e-01 : f32
        %parallel_loop3A_272 = vector.broadcast %parallel_loop3A_271 : f32 to vector<16xf32>
        %parallel_loop3A_273 = arith.mulf %parallel_loop3A_272, %parallel_loop3A_262 : vector<16xf32>
        %parallel_loop3A_274 = arith.mulf %parallel_loop3A_273, %parallel_loop3A_270 : vector<16xf32>
        %parallel_loop3A_275 = arith.mulf %parallel_loop3A_274, %parallel_loop3A_270 : vector<16xf32>
        %parallel_loop3A_276 = arith.constant 1.500000e+00 : f32
        %parallel_loop3A_277 = vector.broadcast %parallel_loop3A_276 : f32 to vector<16xf32>
        %parallel_loop3A_278 = arith.subf %parallel_loop3A_277, %parallel_loop3A_275 : vector<16xf32>
        %parallel_loop3A_279 = arith.mulf %parallel_loop3A_270, %parallel_loop3A_278 : vector<16xf32>
        %parallel_loop3A_280 = arith.constant 5.000000e-01 : f32
        %parallel_loop3A_281 = vector.broadcast %parallel_loop3A_280 : f32 to vector<16xf32>
        %parallel_loop3A_282 = arith.mulf %parallel_loop3A_281, %parallel_loop3A_262 : vector<16xf32>
        %parallel_loop3A_283 = arith.mulf %parallel_loop3A_282, %parallel_loop3A_279 : vector<16xf32>
        %parallel_loop3A_284 = arith.mulf %parallel_loop3A_283, %parallel_loop3A_279 : vector<16xf32>
        %parallel_loop3A_285 = arith.constant 1.500000e+00 : f32
        %parallel_loop3A_286 = vector.broadcast %parallel_loop3A_285 : f32 to vector<16xf32>
        %parallel_loop3A_287 = arith.subf %parallel_loop3A_286, %parallel_loop3A_284 : vector<16xf32>
        %parallel_loop3A_288 = arith.mulf %parallel_loop3A_279, %parallel_loop3A_287 : vector<16xf32>
        %parallel_loop3A_289 = arith.constant 5.000000e-01 : f32
        %parallel_loop3A_290 = vector.broadcast %parallel_loop3A_289 : f32 to vector<16xf32>
        %parallel_loop3A_291 = arith.mulf %parallel_loop3A_290, %parallel_loop3A_262 : vector<16xf32>
        %parallel_loop3A_292 = arith.mulf %parallel_loop3A_291, %parallel_loop3A_288 : vector<16xf32>
        %parallel_loop3A_293 = arith.mulf %parallel_loop3A_292, %parallel_loop3A_288 : vector<16xf32>
        %parallel_loop3A_294 = arith.constant 1.500000e+00 : f32
        %parallel_loop3A_295 = vector.broadcast %parallel_loop3A_294 : f32 to vector<16xf32>
        %parallel_loop3A_296 = arith.subf %parallel_loop3A_295, %parallel_loop3A_293 : vector<16xf32>
        %parallel_loop3A_297 = arith.mulf %parallel_loop3A_288, %parallel_loop3A_296 : vector<16xf32>
        %parallel_loop3A_298 = arith.constant 2.000000e+00 : f32
        %parallel_loop3A_299 = vector.broadcast %parallel_loop3A_298 : f32 to vector<16xf32>
        %parallel_loop3A_300 = arith.mulf %parallel_loop3A_299, %parallel_loop3A_297 : vector<16xf32>
        %parallel_loop3A_301 = arith.constant 1.000000e+00 : f32
        %parallel_loop3A_302 = vector.broadcast %parallel_loop3A_301 : f32 to vector<16xf32>
        %parallel_loop3A_303 = arith.subf %parallel_loop3A_300, %parallel_loop3A_302 : vector<16xf32>
        %parallel_loop3A_304 = arith.constant 1.000000e+00 : f32
        %parallel_loop3A_305 = vector.broadcast %parallel_loop3A_304 : f32 to vector<16xf32>
        %parallel_loop3A_306 = arith.minimumf %parallel_loop3A_305, %parallel_loop3A_303 : vector<16xf32>
        %parallel_loop3A_307 = arith.mulf %parallel_loop3A_251, %parallel_loop3A_306 : vector<16xf32>
        %parallel_loop3A_308 = arith.index_cast %parallel_loop3A_230 : i32 to index
        %parallel_loop3A_309 = arith.index_cast %parallel_loop3A_248 : i32 to index
        %parallel_loop3A_310 = tpu.vector_load %arg15[%parallel_loop3A_308, %parallel_loop3A_309] {strides = array<i32>} : memref<32x128xf32, #tpu.memory_space<vmem>>, vector<16xf32>,
        tpu.vector_store %arg15[%parallel_loop3A_308, %parallel_loop3A_309], %parallel_loop3A_307 {strides = array<i32>} : memref<32x128xf32, #tpu.memory_space<vmem>>, vector<16xf32>,
        %parallel_loop3A_311 = arith.mulf %parallel_loop3A_254, %parallel_loop3A_306 : vector<16xf32>
        %parallel_loop3A_312 = arith.index_cast %parallel_loop3A_230 : i32 to index
        %parallel_loop3A_313 = arith.index_cast %parallel_loop3A_248 : i32 to index
        %parallel_loop3A_314 = tpu.vector_load %arg16[%parallel_loop3A_312, %parallel_loop3A_313] {strides = array<i32>} : memref<32x128xf32, #tpu.memory_space<vmem>>, vector<16xf32>,
        tpu.vector_store %arg16[%parallel_loop3A_312, %parallel_loop3A_313], %parallel_loop3A_311 {strides = array<i32>} : memref<32x128xf32, #tpu.memory_space<vmem>>, vector<16xf32>,
        %parallel_loop3A_315 = arith.mulf %parallel_loop3A_257, %parallel_loop3A_306 : vector<16xf32>
        %parallel_loop3A_316 = arith.index_cast %parallel_loop3A_230 : i32 to index
        %parallel_loop3A_317 = arith.index_cast %parallel_loop3A_248 : i32 to index
        %parallel_loop3A_318 = tpu.vector_load %arg17[%parallel_loop3A_316, %parallel_loop3A_317] {strides = array<i32>} : memref<32x128xf32, #tpu.memory_space<vmem>>, vector<16xf32>,
        tpu.vector_store %arg17[%parallel_loop3A_316, %parallel_loop3A_317], %parallel_loop3A_315 {strides = array<i32>} : memref<32x128xf32, #tpu.memory_space<vmem>>, vector<16xf32>,
        %parallel_loop3A_319 = arith.mulf %parallel_loop3A_251, %parallel_loop3A_297 : vector<16xf32>
        %parallel_loop3A_320 = arith.index_cast %parallel_loop3A_230 : i32 to index
        %parallel_loop3A_321 = arith.index_cast %parallel_loop3A_248 : i32 to index
        %parallel_loop3A_322 = tpu.vector_load %arg18[%parallel_loop3A_320, %parallel_loop3A_321] {strides = array<i32>} : memref<32x128xf32, #tpu.memory_space<vmem>>, vector<16xf32>,
        tpu.vector_store %arg18[%parallel_loop3A_320, %parallel_loop3A_321], %parallel_loop3A_319 {strides = array<i32>} : memref<32x128xf32, #tpu.memory_space<vmem>>, vector<16xf32>,
        %parallel_loop3A_323 = arith.mulf %parallel_loop3A_254, %parallel_loop3A_297 : vector<16xf32>
        %parallel_loop3A_324 = arith.index_cast %parallel_loop3A_230 : i32 to index
        %parallel_loop3A_325 = arith.index_cast %parallel_loop3A_248 : i32 to index
        %parallel_loop3A_326 = tpu.vector_load %arg19[%parallel_loop3A_324, %parallel_loop3A_325] {strides = array<i32>} : memref<32x128xf32, #tpu.memory_space<vmem>>, vector<16xf32>,
        tpu.vector_store %arg19[%parallel_loop3A_324, %parallel_loop3A_325], %parallel_loop3A_323 {strides = array<i32>} : memref<32x128xf32, #tpu.memory_space<vmem>>, vector<16xf32>,
        %parallel_loop3A_327 = arith.mulf %parallel_loop3A_257, %parallel_loop3A_297 : vector<16xf32>
        %parallel_loop3A_328 = arith.index_cast %parallel_loop3A_230 : i32 to index
        %parallel_loop3A_329 = arith.index_cast %parallel_loop3A_248 : i32 to index
        %parallel_loop3A_330 = tpu.vector_load %arg20[%parallel_loop3A_328, %parallel_loop3A_329] {strides = array<i32>} : memref<32x128xf32, #tpu.memory_space<vmem>>, vector<16xf32>,
        tpu.vector_store %arg20[%parallel_loop3A_328, %parallel_loop3A_329], %parallel_loop3A_327 {strides = array<i32>} : memref<32x128xf32, #tpu.memory_space<vmem>>, vector<16xf32>,
        %parallel_loop3A_331 = arith.constant 1.000000e+00 : f32
        %parallel_loop3A_332 = vector.broadcast %parallel_loop3A_331 : f32 to vector<16xf32>
        %parallel_loop3A_333 = arith.cmpf ogt, %parallel_loop3A_262, %parallel_loop3A_332 : vector<16xf32>
        %parallel_loop3A_334 = arith.extui %parallel_loop3A_333 : vector<16xi1> to vector<16xi32>
        %parallel_loop3A_335 = arith.index_cast %parallel_loop3A_230 : i32 to index
        %parallel_loop3A_336 = arith.index_cast %parallel_loop3A_248 : i32 to index
        %parallel_loop3A_337 = tpu.vector_load %arg21[%parallel_loop3A_335, %parallel_loop3A_336] {strides = array<i32>} : memref<32x128xi32, #tpu.memory_space<vmem>>, vector<16xi32>,
        tpu.vector_store %arg21[%parallel_loop3A_335, %parallel_loop3A_336], %parallel_loop3A_334 {strides = array<i32>} : memref<32x128xi32, #tpu.memory_space<vmem>>, vector<16xi32>,
      } {sc.loop_unroll_factor = 8 : i64, sc.parallel_access}
      %mul3A_110 = arith.constant 32 : i32
      %mul3A_111 = arith.muli %add3A_84, %mul3A_110 : i32
      %add3A_112 = arith.addi %mul3A_2, %mul3A_111 : i32
      %dma_start3A_113 = arith.constant 0 : i32
      %dma_start3A_114 = tpu.memref_slice %arg5[%add3A_112, %dma_start3A_113] : memref<16384x128xf32, #tpu.memory_space<hbm>> -> memref<32x128xf32, #tpu.memory_space<hbm>>
      %dma_start3A_115 = arith.constant 0 : i32
      %dma_start3A_116 = tpu.memref_slice %arg5[%add3A_112, %dma_start3A_115] : memref<16384x128xf32, #tpu.memory_space<hbm>> -> memref<32x128xf32, #tpu.memory_space<hbm>>
      tpu.enqueue_dma source(%arg15 : memref<32x128xf32, #tpu.memory_space<vmem>>) target(%dma_start3A_116 : memref<32x128xf32, #tpu.memory_space<hbm>>) target_semaphore(%arg34 : memref<!tpu.dma_semaphore, #tpu.memory_space<semaphore_mem>>)
      %dma_start3A_117 = arith.constant 0 : i32
      %dma_start3A_118 = tpu.memref_slice %arg6[%add3A_112, %dma_start3A_117] : memref<16384x128xf32, #tpu.memory_space<hbm>> -> memref<32x128xf32, #tpu.memory_space<hbm>>
      %dma_start3A_119 = arith.constant 0 : i32
      %dma_start3A_120 = tpu.memref_slice %arg6[%add3A_112, %dma_start3A_119] : memref<16384x128xf32, #tpu.memory_space<hbm>> -> memref<32x128xf32, #tpu.memory_space<hbm>>
      tpu.enqueue_dma source(%arg16 : memref<32x128xf32, #tpu.memory_space<vmem>>) target(%dma_start3A_120 : memref<32x128xf32, #tpu.memory_space<hbm>>) target_semaphore(%arg34 : memref<!tpu.dma_semaphore, #tpu.memory_space<semaphore_mem>>)
      %dma_start3A_121 = arith.constant 0 : i32
      %dma_start3A_122 = tpu.memref_slice %arg7[%add3A_112, %dma_start3A_121] : memref<16384x128xf32, #tpu.memory_space<hbm>> -> memref<32x128xf32, #tpu.memory_space<hbm>>
      %dma_start3A_123 = arith.constant 0 : i32
      %dma_start3A_124 = tpu.memref_slice %arg7[%add3A_112, %dma_start3A_123] : memref<16384x128xf32, #tpu.memory_space<hbm>> -> memref<32x128xf32, #tpu.memory_space<hbm>>
      tpu.enqueue_dma source(%arg17 : memref<32x128xf32, #tpu.memory_space<vmem>>) target(%dma_start3A_124 : memref<32x128xf32, #tpu.memory_space<hbm>>) target_semaphore(%arg34 : memref<!tpu.dma_semaphore, #tpu.memory_space<semaphore_mem>>)
      %dma_start3A_125 = arith.constant 0 : i32
      %dma_start3A_126 = tpu.memref_slice %arg8[%add3A_112, %dma_start3A_125] : memref<16384x128xf32, #tpu.memory_space<hbm>> -> memref<32x128xf32, #tpu.memory_space<hbm>>
      %dma_start3A_127 = arith.constant 0 : i32
      %dma_start3A_128 = tpu.memref_slice %arg8[%add3A_112, %dma_start3A_127] : memref<16384x128xf32, #tpu.memory_space<hbm>> -> memref<32x128xf32, #tpu.memory_space<hbm>>
      tpu.enqueue_dma source(%arg18 : memref<32x128xf32, #tpu.memory_space<vmem>>) target(%dma_start3A_128 : memref<32x128xf32, #tpu.memory_space<hbm>>) target_semaphore(%arg34 : memref<!tpu.dma_semaphore, #tpu.memory_space<semaphore_mem>>)
      %dma_start3A_129 = arith.constant 0 : i32
      %dma_start3A_130 = tpu.memref_slice %arg9[%add3A_112, %dma_start3A_129] : memref<16384x128xf32, #tpu.memory_space<hbm>> -> memref<32x128xf32, #tpu.memory_space<hbm>>
      %dma_start3A_131 = arith.constant 0 : i32
      %dma_start3A_132 = tpu.memref_slice %arg9[%add3A_112, %dma_start3A_131] : memref<16384x128xf32, #tpu.memory_space<hbm>> -> memref<32x128xf32, #tpu.memory_space<hbm>>
      tpu.enqueue_dma source(%arg19 : memref<32x128xf32, #tpu.memory_space<vmem>>) target(%dma_start3A_132 : memref<32x128xf32, #tpu.memory_space<hbm>>) target_semaphore(%arg34 : memref<!tpu.dma_semaphore, #tpu.memory_space<semaphore_mem>>)
      %dma_start3A_133 = arith.constant 0 : i32
      %dma_start3A_134 = tpu.memref_slice %arg10[%add3A_112, %dma_start3A_133] : memref<16384x128xf32, #tpu.memory_space<hbm>> -> memref<32x128xf32, #tpu.memory_space<hbm>>
      %dma_start3A_135 = arith.constant 0 : i32
      %dma_start3A_136 = tpu.memref_slice %arg10[%add3A_112, %dma_start3A_135] : memref<16384x128xf32, #tpu.memory_space<hbm>> -> memref<32x128xf32, #tpu.memory_space<hbm>>
      tpu.enqueue_dma source(%arg20 : memref<32x128xf32, #tpu.memory_space<vmem>>) target(%dma_start3A_136 : memref<32x128xf32, #tpu.memory_space<hbm>>) target_semaphore(%arg34 : memref<!tpu.dma_semaphore, #tpu.memory_space<semaphore_mem>>)
      %dma_start3A_137 = arith.constant 0 : i32
      %dma_start3A_138 = tpu.memref_slice %arg11[%add3A_112, %dma_start3A_137] : memref<16384x128xi32, #tpu.memory_space<hbm>> -> memref<32x128xi32, #tpu.memory_space<hbm>>
      %dma_start3A_139 = arith.constant 0 : i32
      %dma_start3A_140 = tpu.memref_slice %arg11[%add3A_112, %dma_start3A_139] : memref<16384x128xi32, #tpu.memory_space<hbm>> -> memref<32x128xi32, #tpu.memory_space<hbm>>
      tpu.enqueue_dma source(%arg21 : memref<32x128xi32, #tpu.memory_space<vmem>>) target(%dma_start3A_140 : memref<32x128xi32, #tpu.memory_space<hbm>>) target_semaphore(%arg34 : memref<!tpu.dma_semaphore, #tpu.memory_space<semaphore_mem>>)
      %mul3A_141 = arith.constant 2 : i32
      %mul3A_142 = arith.muli %scan3A_80, %mul3A_141 : i32
      %add3A_143 = arith.constant 1 : i32
      %add3A_144 = arith.addi %mul3A_142, %add3A_143 : i32
      %add3A_145 = arith.constant 1 : i32
      %add3A_146 = arith.addi %add3A_144, %add3A_145 : i32
      %lt3A_147 = arith.constant 16 : i32
      %lt3A_148 = arith.cmpi slt, %add3A_146, %lt3A_147 : i32
      %convert_element_type3A_149 = arith.extui %lt3A_148 : i1 to i32
      %cond3A_150 = arith.constant 0 : i32
      %cond3A_151 = arith.cmpi ne, %convert_element_type3A_149, %cond3A_150 : i32
      scf.if %cond3A_151 {
        %add3A_206 = arith.constant 1 : i32
        %add3A_207 = arith.addi %add3A_144, %add3A_206 : i32
        %mul3A_208 = arith.constant 32 : i32
        %mul3A_209 = arith.muli %add3A_207, %mul3A_208 : i32
        %add3A_210 = arith.addi %mul3A_2, %mul3A_209 : i32
        %dma_start3A_211 = arith.constant 0 : i32
        %dma_start3A_212 = tpu.memref_slice %arg2[%add3A_210, %dma_start3A_211] : memref<16384x128xf32, #tpu.memory_space<hbm>> -> memref<32x128xf32, #tpu.memory_space<hbm>>
        %dma_start3A_213 = arith.constant 0 : i32
        %dma_start3A_214 = tpu.memref_slice %arg2[%add3A_210, %dma_start3A_213] : memref<16384x128xf32, #tpu.memory_space<hbm>> -> memref<32x128xf32, #tpu.memory_space<hbm>>
        tpu.enqueue_dma source(%dma_start3A_214 : memref<32x128xf32, #tpu.memory_space<hbm>>) target(%arg12 : memref<32x128xf32, #tpu.memory_space<vmem>>) target_semaphore(%arg32 : memref<!tpu.dma_semaphore, #tpu.memory_space<semaphore_mem>>)
        %dma_start3A_215 = arith.constant 0 : i32
        %dma_start3A_216 = tpu.memref_slice %arg3[%add3A_210, %dma_start3A_215] : memref<16384x128xf32, #tpu.memory_space<hbm>> -> memref<32x128xf32, #tpu.memory_space<hbm>>
        %dma_start3A_217 = arith.constant 0 : i32
        %dma_start3A_218 = tpu.memref_slice %arg3[%add3A_210, %dma_start3A_217] : memref<16384x128xf32, #tpu.memory_space<hbm>> -> memref<32x128xf32, #tpu.memory_space<hbm>>
        tpu.enqueue_dma source(%dma_start3A_218 : memref<32x128xf32, #tpu.memory_space<hbm>>) target(%arg13 : memref<32x128xf32, #tpu.memory_space<vmem>>) target_semaphore(%arg32 : memref<!tpu.dma_semaphore, #tpu.memory_space<semaphore_mem>>)
        %dma_start3A_219 = arith.constant 0 : i32
        %dma_start3A_220 = tpu.memref_slice %arg4[%add3A_210, %dma_start3A_219] : memref<16384x128xf32, #tpu.memory_space<hbm>> -> memref<32x128xf32, #tpu.memory_space<hbm>>
        %dma_start3A_221 = arith.constant 0 : i32
        %dma_start3A_222 = tpu.memref_slice %arg4[%add3A_210, %dma_start3A_221] : memref<16384x128xf32, #tpu.memory_space<hbm>> -> memref<32x128xf32, #tpu.memory_space<hbm>>
        tpu.enqueue_dma source(%dma_start3A_222 : memref<32x128xf32, #tpu.memory_space<hbm>>) target(%arg14 : memref<32x128xf32, #tpu.memory_space<vmem>>) target_semaphore(%arg32 : memref<!tpu.dma_semaphore, #tpu.memory_space<semaphore_mem>>)
      } else {
      }
      %mul3A_152 = arith.constant 32 : i32
      %mul3A_153 = arith.muli %add3A_144, %mul3A_152 : i32
      %add3A_154 = arith.addi %mul3A_2, %mul3A_153 : i32
      %dma_wait3A_155 = arith.constant 0 : i32
      %dma_wait3A_156 = tpu.memref_slice %arg2[%add3A_154, %dma_wait3A_155] : memref<16384x128xf32, #tpu.memory_space<hbm>> -> memref<32x128xf32, #tpu.memory_space<hbm>>
      %dma_wait3A_157 = arith.constant 0 : i32
      %dma_wait3A_158 = tpu.memref_slice %arg2[%add3A_154, %dma_wait3A_157] : memref<16384x128xf32, #tpu.memory_space<hbm>> -> memref<32x128xf32, #tpu.memory_space<hbm>>
      tpu.wait_dma2 semaphore(%arg33 : memref<!tpu.dma_semaphore, #tpu.memory_space<semaphore_mem>>) src(%dma_wait3A_158 : memref<32x128xf32, #tpu.memory_space<hbm>>) dst(%arg22 : memref<32x128xf32, #tpu.memory_space<vmem>>)
      %dma_wait3A_159 = arith.constant 0 : i32
      %dma_wait3A_160 = tpu.memref_slice %arg3[%add3A_154, %dma_wait3A_159] : memref<16384x128xf32, #tpu.memory_space<hbm>> -> memref<32x128xf32, #tpu.memory_space<hbm>>
      %dma_wait3A_161 = arith.constant 0 : i32
      %dma_wait3A_162 = tpu.memref_slice %arg3[%add3A_154, %dma_wait3A_161] : memref<16384x128xf32, #tpu.memory_space<hbm>> -> memref<32x128xf32, #tpu.memory_space<hbm>>
      tpu.wait_dma2 semaphore(%arg33 : memref<!tpu.dma_semaphore, #tpu.memory_space<semaphore_mem>>) src(%dma_wait3A_162 : memref<32x128xf32, #tpu.memory_space<hbm>>) dst(%arg23 : memref<32x128xf32, #tpu.memory_space<vmem>>)
      %dma_wait3A_163 = arith.constant 0 : i32
      %dma_wait3A_164 = tpu.memref_slice %arg4[%add3A_154, %dma_wait3A_163] : memref<16384x128xf32, #tpu.memory_space<hbm>> -> memref<32x128xf32, #tpu.memory_space<hbm>>
      %dma_wait3A_165 = arith.constant 0 : i32
      %dma_wait3A_166 = tpu.memref_slice %arg4[%add3A_154, %dma_wait3A_165] : memref<16384x128xf32, #tpu.memory_space<hbm>> -> memref<32x128xf32, #tpu.memory_space<hbm>>
      tpu.wait_dma2 semaphore(%arg33 : memref<!tpu.dma_semaphore, #tpu.memory_space<semaphore_mem>>) src(%dma_wait3A_166 : memref<32x128xf32, #tpu.memory_space<hbm>>) dst(%arg24 : memref<32x128xf32, #tpu.memory_space<vmem>>)
      %ge3A_167 = arith.constant 2 : i32
      %ge3A_168 = arith.cmpi sge, %add3A_144, %ge3A_167 : i32
      %convert_element_type3A_169 = arith.extui %ge3A_168 : i1 to i32
      %cond3A_170 = arith.constant 0 : i32
      %cond3A_171 = arith.cmpi ne, %convert_element_type3A_169, %cond3A_170 : i32
      scf.if %cond3A_171 {
        %sub3A = arith.constant 2 : i32
        %sub3A_206 = arith.subi %add3A_144, %sub3A : i32
        %mul3A_207 = arith.constant 32 : i32
        %mul3A_208 = arith.muli %sub3A_206, %mul3A_207 : i32
        %add3A_209 = arith.addi %mul3A_2, %mul3A_208 : i32
        %dma_wait3A_210 = arith.constant 0 : i32
        %dma_wait3A_211 = tpu.memref_slice %arg5[%add3A_209, %dma_wait3A_210] : memref<16384x128xf32, #tpu.memory_space<hbm>> -> memref<32x128xf32, #tpu.memory_space<hbm>>
        %dma_wait3A_212 = arith.constant 0 : i32
        %dma_wait3A_213 = tpu.memref_slice %arg5[%add3A_209, %dma_wait3A_212] : memref<16384x128xf32, #tpu.memory_space<hbm>> -> memref<32x128xf32, #tpu.memory_space<hbm>>
        tpu.wait_dma2 semaphore(%arg35 : memref<!tpu.dma_semaphore, #tpu.memory_space<semaphore_mem>>) src(%arg25 : memref<32x128xf32, #tpu.memory_space<vmem>>) dst(%dma_wait3A_213 : memref<32x128xf32, #tpu.memory_space<hbm>>)
        %dma_wait3A_214 = arith.constant 0 : i32
        %dma_wait3A_215 = tpu.memref_slice %arg6[%add3A_209, %dma_wait3A_214] : memref<16384x128xf32, #tpu.memory_space<hbm>> -> memref<32x128xf32, #tpu.memory_space<hbm>>
        %dma_wait3A_216 = arith.constant 0 : i32
        %dma_wait3A_217 = tpu.memref_slice %arg6[%add3A_209, %dma_wait3A_216] : memref<16384x128xf32, #tpu.memory_space<hbm>> -> memref<32x128xf32, #tpu.memory_space<hbm>>
        tpu.wait_dma2 semaphore(%arg35 : memref<!tpu.dma_semaphore, #tpu.memory_space<semaphore_mem>>) src(%arg26 : memref<32x128xf32, #tpu.memory_space<vmem>>) dst(%dma_wait3A_217 : memref<32x128xf32, #tpu.memory_space<hbm>>)
        %dma_wait3A_218 = arith.constant 0 : i32
        %dma_wait3A_219 = tpu.memref_slice %arg7[%add3A_209, %dma_wait3A_218] : memref<16384x128xf32, #tpu.memory_space<hbm>> -> memref<32x128xf32, #tpu.memory_space<hbm>>
        %dma_wait3A_220 = arith.constant 0 : i32
        %dma_wait3A_221 = tpu.memref_slice %arg7[%add3A_209, %dma_wait3A_220] : memref<16384x128xf32, #tpu.memory_space<hbm>> -> memref<32x128xf32, #tpu.memory_space<hbm>>
        tpu.wait_dma2 semaphore(%arg35 : memref<!tpu.dma_semaphore, #tpu.memory_space<semaphore_mem>>) src(%arg27 : memref<32x128xf32, #tpu.memory_space<vmem>>) dst(%dma_wait3A_221 : memref<32x128xf32, #tpu.memory_space<hbm>>)
        %dma_wait3A_222 = arith.constant 0 : i32
        %dma_wait3A_223 = tpu.memref_slice %arg8[%add3A_209, %dma_wait3A_222] : memref<16384x128xf32, #tpu.memory_space<hbm>> -> memref<32x128xf32, #tpu.memory_space<hbm>>
        %dma_wait3A_224 = arith.constant 0 : i32
        %dma_wait3A_225 = tpu.memref_slice %arg8[%add3A_209, %dma_wait3A_224] : memref<16384x128xf32, #tpu.memory_space<hbm>> -> memref<32x128xf32, #tpu.memory_space<hbm>>
        tpu.wait_dma2 semaphore(%arg35 : memref<!tpu.dma_semaphore, #tpu.memory_space<semaphore_mem>>) src(%arg28 : memref<32x128xf32, #tpu.memory_space<vmem>>) dst(%dma_wait3A_225 : memref<32x128xf32, #tpu.memory_space<hbm>>)
        %dma_wait3A_226 = arith.constant 0 : i32
        %dma_wait3A_227 = tpu.memref_slice %arg9[%add3A_209, %dma_wait3A_226] : memref<16384x128xf32, #tpu.memory_space<hbm>> -> memref<32x128xf32, #tpu.memory_space<hbm>>
        %dma_wait3A_228 = arith.constant 0 : i32
        %dma_wait3A_229 = tpu.memref_slice %arg9[%add3A_209, %dma_wait3A_228] : memref<16384x128xf32, #tpu.memory_space<hbm>> -> memref<32x128xf32, #tpu.memory_space<hbm>>
        tpu.wait_dma2 semaphore(%arg35 : memref<!tpu.dma_semaphore, #tpu.memory_space<semaphore_mem>>) src(%arg29 : memref<32x128xf32, #tpu.memory_space<vmem>>) dst(%dma_wait3A_229 : memref<32x128xf32, #tpu.memory_space<hbm>>)
        %dma_wait3A_230 = arith.constant 0 : i32
        %dma_wait3A_231 = tpu.memref_slice %arg10[%add3A_209, %dma_wait3A_230] : memref<16384x128xf32, #tpu.memory_space<hbm>> -> memref<32x128xf32, #tpu.memory_space<hbm>>
        %dma_wait3A_232 = arith.constant 0 : i32
        %dma_wait3A_233 = tpu.memref_slice %arg10[%add3A_209, %dma_wait3A_232] : memref<16384x128xf32, #tpu.memory_space<hbm>> -> memref<32x128xf32, #tpu.memory_space<hbm>>
        tpu.wait_dma2 semaphore(%arg35 : memref<!tpu.dma_semaphore, #tpu.memory_space<semaphore_mem>>) src(%arg30 : memref<32x128xf32, #tpu.memory_space<vmem>>) dst(%dma_wait3A_233 : memref<32x128xf32, #tpu.memory_space<hbm>>)
        %dma_wait3A_234 = arith.constant 0 : i32
        %dma_wait3A_235 = tpu.memref_slice %arg11[%add3A_209, %dma_wait3A_234] : memref<16384x128xi32, #tpu.memory_space<hbm>> -> memref<32x128xi32, #tpu.memory_space<hbm>>
        %dma_wait3A_236 = arith.constant 0 : i32
        %dma_wait3A_237 = tpu.memref_slice %arg11[%add3A_209, %dma_wait3A_236] : memref<16384x128xi32, #tpu.memory_space<hbm>> -> memref<32x128xi32, #tpu.memory_space<hbm>>
        tpu.wait_dma2 semaphore(%arg35 : memref<!tpu.dma_semaphore, #tpu.memory_space<semaphore_mem>>) src(%arg31 : memref<32x128xi32, #tpu.memory_space<vmem>>) dst(%dma_wait3A_237 : memref<32x128xi32, #tpu.memory_space<hbm>>)
      } else {
      }
      %parallel_loop3A_172 = arith.constant 0 : i32
      %parallel_loop3A_173 = arith.constant 256 : i32
      %parallel_loop3A_174 = arith.constant 1 : i32
      scf.for %parallel_loop3A_206 = %parallel_loop3A_172 to %parallel_loop3A_173 step %parallel_loop3A_174  : i32 {
        %parallel_loop3A_207 = arith.constant 8 : i32
        %parallel_loop3A_208 = arith.divsi %parallel_loop3A_206, %parallel_loop3A_207 : i32
        %parallel_loop3A_209 = arith.constant 0 : i32
        %parallel_loop3A_210 = arith.cmpi sgt, %parallel_loop3A_206, %parallel_loop3A_209 : i32
        %parallel_loop3A_211 = arith.extui %parallel_loop3A_210 : i1 to i32
        %parallel_loop3A_212 = arith.constant 0 : i32
        %parallel_loop3A_213 = arith.cmpi slt, %parallel_loop3A_206, %parallel_loop3A_212 : i32
        %parallel_loop3A_214 = arith.extui %parallel_loop3A_213 : i1 to i32
        %parallel_loop3A_215 = arith.subi %parallel_loop3A_211, %parallel_loop3A_214 : i32
        %parallel_loop3A_216 = arith.constant 0 : i32
        %parallel_loop3A_217 = arith.cmpi sgt, %parallel_loop3A_207, %parallel_loop3A_216 : i32
        %parallel_loop3A_218 = arith.extui %parallel_loop3A_217 : i1 to i32
        %parallel_loop3A_219 = arith.constant 0 : i32
        %parallel_loop3A_220 = arith.cmpi slt, %parallel_loop3A_207, %parallel_loop3A_219 : i32
        %parallel_loop3A_221 = arith.extui %parallel_loop3A_220 : i1 to i32
        %parallel_loop3A_222 = arith.subi %parallel_loop3A_218, %parallel_loop3A_221 : i32
        %parallel_loop3A_223 = arith.cmpi ne, %parallel_loop3A_215, %parallel_loop3A_222 : i32
        %parallel_loop3A_224 = arith.remsi %parallel_loop3A_206, %parallel_loop3A_207 : i32
        %parallel_loop3A_225 = arith.constant 0 : i32
        %parallel_loop3A_226 = arith.cmpi ne, %parallel_loop3A_224, %parallel_loop3A_225 : i32
        %parallel_loop3A_227 = arith.andi %parallel_loop3A_223, %parallel_loop3A_226 : i1
        %parallel_loop3A_228 = arith.constant 1 : i32
        %parallel_loop3A_229 = arith.subi %parallel_loop3A_208, %parallel_loop3A_228 : i32
        %parallel_loop3A_230 = arith.select %parallel_loop3A_227, %parallel_loop3A_229, %parallel_loop3A_208 : i32
        %parallel_loop3A_231 = arith.constant 8 : i32
        %parallel_loop3A_232 = arith.constant 0 : i32
        %parallel_loop3A_233 = arith.cmpi eq, %parallel_loop3A_231, %parallel_loop3A_232 : i32
        %parallel_loop3A_234 = arith.constant 1 : i32
        %parallel_loop3A_235 = arith.select %parallel_loop3A_233, %parallel_loop3A_234, %parallel_loop3A_231 : i32
        %parallel_loop3A_236 = arith.remsi %parallel_loop3A_206, %parallel_loop3A_235 : i32
        %parallel_loop3A_237 = arith.constant 0 : i32
        %parallel_loop3A_238 = arith.cmpi ne, %parallel_loop3A_236, %parallel_loop3A_237 : i32
        %parallel_loop3A_239 = arith.constant 0 : i32
        %parallel_loop3A_240 = arith.cmpi slt, %parallel_loop3A_236, %parallel_loop3A_239 : i32
        %parallel_loop3A_241 = arith.constant 0 : i32
        %parallel_loop3A_242 = arith.cmpi slt, %parallel_loop3A_235, %parallel_loop3A_241 : i32
        %parallel_loop3A_243 = arith.xori %parallel_loop3A_240, %parallel_loop3A_242 : i1
        %parallel_loop3A_244 = arith.andi %parallel_loop3A_243, %parallel_loop3A_238 : i1
        %parallel_loop3A_245 = arith.addi %parallel_loop3A_236, %parallel_loop3A_235 : i32
        %parallel_loop3A_246 = arith.select %parallel_loop3A_244, %parallel_loop3A_245, %parallel_loop3A_236 : i32
        %parallel_loop3A_247 = arith.constant 16 : i32
        %parallel_loop3A_248 = arith.muli %parallel_loop3A_246, %parallel_loop3A_247 : i32
        %parallel_loop3A_249 = arith.index_cast %parallel_loop3A_230 : i32 to index
        %parallel_loop3A_250 = arith.index_cast %parallel_loop3A_248 : i32 to index
        %parallel_loop3A_251 = tpu.vector_load %arg22[%parallel_loop3A_249, %parallel_loop3A_250] {strides = array<i32>} : memref<32x128xf32, #tpu.memory_space<vmem>>, vector<16xf32>,
        %parallel_loop3A_252 = arith.index_cast %parallel_loop3A_230 : i32 to index
        %parallel_loop3A_253 = arith.index_cast %parallel_loop3A_248 : i32 to index
        %parallel_loop3A_254 = tpu.vector_load %arg23[%parallel_loop3A_252, %parallel_loop3A_253] {strides = array<i32>} : memref<32x128xf32, #tpu.memory_space<vmem>>, vector<16xf32>,
        %parallel_loop3A_255 = arith.index_cast %parallel_loop3A_230 : i32 to index
        %parallel_loop3A_256 = arith.index_cast %parallel_loop3A_248 : i32 to index
        %parallel_loop3A_257 = tpu.vector_load %arg24[%parallel_loop3A_255, %parallel_loop3A_256] {strides = array<i32>} : memref<32x128xf32, #tpu.memory_space<vmem>>, vector<16xf32>,
        %parallel_loop3A_258 = arith.mulf %parallel_loop3A_251, %parallel_loop3A_251 : vector<16xf32>
        %parallel_loop3A_259 = arith.mulf %parallel_loop3A_254, %parallel_loop3A_254 : vector<16xf32>
        %parallel_loop3A_260 = arith.addf %parallel_loop3A_258, %parallel_loop3A_259 : vector<16xf32>
        %parallel_loop3A_261 = arith.mulf %parallel_loop3A_257, %parallel_loop3A_257 : vector<16xf32>
        %parallel_loop3A_262 = arith.addf %parallel_loop3A_260, %parallel_loop3A_261 : vector<16xf32>
        %parallel_loop3A_263 = tpu.bitcast %parallel_loop3A_262 : vector<16xf32> -> vector<16xi32>
        %parallel_loop3A_264 = arith.constant 1 : i32
        %parallel_loop3A_265 = vector.broadcast %parallel_loop3A_264 : i32 to vector<16xi32>
        %parallel_loop3A_266 = arith.shrui %parallel_loop3A_263, %parallel_loop3A_265 : vector<16xi32>
        %parallel_loop3A_267 = arith.constant 1597463007 : i32
        %parallel_loop3A_268 = vector.broadcast %parallel_loop3A_267 : i32 to vector<16xi32>
        %parallel_loop3A_269 = arith.subi %parallel_loop3A_268, %parallel_loop3A_266 : vector<16xi32>
        %parallel_loop3A_270 = tpu.bitcast %parallel_loop3A_269 : vector<16xi32> -> vector<16xf32>
        %parallel_loop3A_271 = arith.constant 5.000000e-01 : f32
        %parallel_loop3A_272 = vector.broadcast %parallel_loop3A_271 : f32 to vector<16xf32>
        %parallel_loop3A_273 = arith.mulf %parallel_loop3A_272, %parallel_loop3A_262 : vector<16xf32>
        %parallel_loop3A_274 = arith.mulf %parallel_loop3A_273, %parallel_loop3A_270 : vector<16xf32>
        %parallel_loop3A_275 = arith.mulf %parallel_loop3A_274, %parallel_loop3A_270 : vector<16xf32>
        %parallel_loop3A_276 = arith.constant 1.500000e+00 : f32
        %parallel_loop3A_277 = vector.broadcast %parallel_loop3A_276 : f32 to vector<16xf32>
        %parallel_loop3A_278 = arith.subf %parallel_loop3A_277, %parallel_loop3A_275 : vector<16xf32>
        %parallel_loop3A_279 = arith.mulf %parallel_loop3A_270, %parallel_loop3A_278 : vector<16xf32>
        %parallel_loop3A_280 = arith.constant 5.000000e-01 : f32
        %parallel_loop3A_281 = vector.broadcast %parallel_loop3A_280 : f32 to vector<16xf32>
        %parallel_loop3A_282 = arith.mulf %parallel_loop3A_281, %parallel_loop3A_262 : vector<16xf32>
        %parallel_loop3A_283 = arith.mulf %parallel_loop3A_282, %parallel_loop3A_279 : vector<16xf32>
        %parallel_loop3A_284 = arith.mulf %parallel_loop3A_283, %parallel_loop3A_279 : vector<16xf32>
        %parallel_loop3A_285 = arith.constant 1.500000e+00 : f32
        %parallel_loop3A_286 = vector.broadcast %parallel_loop3A_285 : f32 to vector<16xf32>
        %parallel_loop3A_287 = arith.subf %parallel_loop3A_286, %parallel_loop3A_284 : vector<16xf32>
        %parallel_loop3A_288 = arith.mulf %parallel_loop3A_279, %parallel_loop3A_287 : vector<16xf32>
        %parallel_loop3A_289 = arith.constant 5.000000e-01 : f32
        %parallel_loop3A_290 = vector.broadcast %parallel_loop3A_289 : f32 to vector<16xf32>
        %parallel_loop3A_291 = arith.mulf %parallel_loop3A_290, %parallel_loop3A_262 : vector<16xf32>
        %parallel_loop3A_292 = arith.mulf %parallel_loop3A_291, %parallel_loop3A_288 : vector<16xf32>
        %parallel_loop3A_293 = arith.mulf %parallel_loop3A_292, %parallel_loop3A_288 : vector<16xf32>
        %parallel_loop3A_294 = arith.constant 1.500000e+00 : f32
        %parallel_loop3A_295 = vector.broadcast %parallel_loop3A_294 : f32 to vector<16xf32>
        %parallel_loop3A_296 = arith.subf %parallel_loop3A_295, %parallel_loop3A_293 : vector<16xf32>
        %parallel_loop3A_297 = arith.mulf %parallel_loop3A_288, %parallel_loop3A_296 : vector<16xf32>
        %parallel_loop3A_298 = arith.constant 2.000000e+00 : f32
        %parallel_loop3A_299 = vector.broadcast %parallel_loop3A_298 : f32 to vector<16xf32>
        %parallel_loop3A_300 = arith.mulf %parallel_loop3A_299, %parallel_loop3A_297 : vector<16xf32>
        %parallel_loop3A_301 = arith.constant 1.000000e+00 : f32
        %parallel_loop3A_302 = vector.broadcast %parallel_loop3A_301 : f32 to vector<16xf32>
        %parallel_loop3A_303 = arith.subf %parallel_loop3A_300, %parallel_loop3A_302 : vector<16xf32>
        %parallel_loop3A_304 = arith.constant 1.000000e+00 : f32
        %parallel_loop3A_305 = vector.broadcast %parallel_loop3A_304 : f32 to vector<16xf32>
        %parallel_loop3A_306 = arith.minimumf %parallel_loop3A_305, %parallel_loop3A_303 : vector<16xf32>
        %parallel_loop3A_307 = arith.mulf %parallel_loop3A_251, %parallel_loop3A_306 : vector<16xf32>
        %parallel_loop3A_308 = arith.index_cast %parallel_loop3A_230 : i32 to index
        %parallel_loop3A_309 = arith.index_cast %parallel_loop3A_248 : i32 to index
        %parallel_loop3A_310 = tpu.vector_load %arg25[%parallel_loop3A_308, %parallel_loop3A_309] {strides = array<i32>} : memref<32x128xf32, #tpu.memory_space<vmem>>, vector<16xf32>,
        tpu.vector_store %arg25[%parallel_loop3A_308, %parallel_loop3A_309], %parallel_loop3A_307 {strides = array<i32>} : memref<32x128xf32, #tpu.memory_space<vmem>>, vector<16xf32>,
        %parallel_loop3A_311 = arith.mulf %parallel_loop3A_254, %parallel_loop3A_306 : vector<16xf32>
        %parallel_loop3A_312 = arith.index_cast %parallel_loop3A_230 : i32 to index
        %parallel_loop3A_313 = arith.index_cast %parallel_loop3A_248 : i32 to index
        %parallel_loop3A_314 = tpu.vector_load %arg26[%parallel_loop3A_312, %parallel_loop3A_313] {strides = array<i32>} : memref<32x128xf32, #tpu.memory_space<vmem>>, vector<16xf32>,
        tpu.vector_store %arg26[%parallel_loop3A_312, %parallel_loop3A_313], %parallel_loop3A_311 {strides = array<i32>} : memref<32x128xf32, #tpu.memory_space<vmem>>, vector<16xf32>,
        %parallel_loop3A_315 = arith.mulf %parallel_loop3A_257, %parallel_loop3A_306 : vector<16xf32>
        %parallel_loop3A_316 = arith.index_cast %parallel_loop3A_230 : i32 to index
        %parallel_loop3A_317 = arith.index_cast %parallel_loop3A_248 : i32 to index
        %parallel_loop3A_318 = tpu.vector_load %arg27[%parallel_loop3A_316, %parallel_loop3A_317] {strides = array<i32>} : memref<32x128xf32, #tpu.memory_space<vmem>>, vector<16xf32>,
        tpu.vector_store %arg27[%parallel_loop3A_316, %parallel_loop3A_317], %parallel_loop3A_315 {strides = array<i32>} : memref<32x128xf32, #tpu.memory_space<vmem>>, vector<16xf32>,
        %parallel_loop3A_319 = arith.mulf %parallel_loop3A_251, %parallel_loop3A_297 : vector<16xf32>
        %parallel_loop3A_320 = arith.index_cast %parallel_loop3A_230 : i32 to index
        %parallel_loop3A_321 = arith.index_cast %parallel_loop3A_248 : i32 to index
        %parallel_loop3A_322 = tpu.vector_load %arg28[%parallel_loop3A_320, %parallel_loop3A_321] {strides = array<i32>} : memref<32x128xf32, #tpu.memory_space<vmem>>, vector<16xf32>,
        tpu.vector_store %arg28[%parallel_loop3A_320, %parallel_loop3A_321], %parallel_loop3A_319 {strides = array<i32>} : memref<32x128xf32, #tpu.memory_space<vmem>>, vector<16xf32>,
        %parallel_loop3A_323 = arith.mulf %parallel_loop3A_254, %parallel_loop3A_297 : vector<16xf32>
        %parallel_loop3A_324 = arith.index_cast %parallel_loop3A_230 : i32 to index
        %parallel_loop3A_325 = arith.index_cast %parallel_loop3A_248 : i32 to index
        %parallel_loop3A_326 = tpu.vector_load %arg29[%parallel_loop3A_324, %parallel_loop3A_325] {strides = array<i32>} : memref<32x128xf32, #tpu.memory_space<vmem>>, vector<16xf32>,
        tpu.vector_store %arg29[%parallel_loop3A_324, %parallel_loop3A_325], %parallel_loop3A_323 {strides = array<i32>} : memref<32x128xf32, #tpu.memory_space<vmem>>, vector<16xf32>,
        %parallel_loop3A_327 = arith.mulf %parallel_loop3A_257, %parallel_loop3A_297 : vector<16xf32>
        %parallel_loop3A_328 = arith.index_cast %parallel_loop3A_230 : i32 to index
        %parallel_loop3A_329 = arith.index_cast %parallel_loop3A_248 : i32 to index
        %parallel_loop3A_330 = tpu.vector_load %arg30[%parallel_loop3A_328, %parallel_loop3A_329] {strides = array<i32>} : memref<32x128xf32, #tpu.memory_space<vmem>>, vector<16xf32>,
        tpu.vector_store %arg30[%parallel_loop3A_328, %parallel_loop3A_329], %parallel_loop3A_327 {strides = array<i32>} : memref<32x128xf32, #tpu.memory_space<vmem>>, vector<16xf32>,
        %parallel_loop3A_331 = arith.constant 1.000000e+00 : f32
        %parallel_loop3A_332 = vector.broadcast %parallel_loop3A_331 : f32 to vector<16xf32>
        %parallel_loop3A_333 = arith.cmpf ogt, %parallel_loop3A_262, %parallel_loop3A_332 : vector<16xf32>
        %parallel_loop3A_334 = arith.extui %parallel_loop3A_333 : vector<16xi1> to vector<16xi32>
        %parallel_loop3A_335 = arith.index_cast %parallel_loop3A_230 : i32 to index
        %parallel_loop3A_336 = arith.index_cast %parallel_loop3A_248 : i32 to index
        %parallel_loop3A_337 = tpu.vector_load %arg31[%parallel_loop3A_335, %parallel_loop3A_336] {strides = array<i32>} : memref<32x128xi32, #tpu.memory_space<vmem>>, vector<16xi32>,
        tpu.vector_store %arg31[%parallel_loop3A_335, %parallel_loop3A_336], %parallel_loop3A_334 {strides = array<i32>} : memref<32x128xi32, #tpu.memory_space<vmem>>, vector<16xi32>,
      } {sc.loop_unroll_factor = 8 : i64, sc.parallel_access}
      %mul3A_175 = arith.constant 32 : i32
      %mul3A_176 = arith.muli %add3A_144, %mul3A_175 : i32
      %add3A_177 = arith.addi %mul3A_2, %mul3A_176 : i32
      %dma_start3A_178 = arith.constant 0 : i32
      %dma_start3A_179 = tpu.memref_slice %arg5[%add3A_177, %dma_start3A_178] : memref<16384x128xf32, #tpu.memory_space<hbm>> -> memref<32x128xf32, #tpu.memory_space<hbm>>
      %dma_start3A_180 = arith.constant 0 : i32
      %dma_start3A_181 = tpu.memref_slice %arg5[%add3A_177, %dma_start3A_180] : memref<16384x128xf32, #tpu.memory_space<hbm>> -> memref<32x128xf32, #tpu.memory_space<hbm>>
      tpu.enqueue_dma source(%arg25 : memref<32x128xf32, #tpu.memory_space<vmem>>) target(%dma_start3A_181 : memref<32x128xf32, #tpu.memory_space<hbm>>) target_semaphore(%arg35 : memref<!tpu.dma_semaphore, #tpu.memory_space<semaphore_mem>>)
      %dma_start3A_182 = arith.constant 0 : i32
      %dma_start3A_183 = tpu.memref_slice %arg6[%add3A_177, %dma_start3A_182] : memref<16384x128xf32, #tpu.memory_space<hbm>> -> memref<32x128xf32, #tpu.memory_space<hbm>>
      %dma_start3A_184 = arith.constant 0 : i32
      %dma_start3A_185 = tpu.memref_slice %arg6[%add3A_177, %dma_start3A_184] : memref<16384x128xf32, #tpu.memory_space<hbm>> -> memref<32x128xf32, #tpu.memory_space<hbm>>
      tpu.enqueue_dma source(%arg26 : memref<32x128xf32, #tpu.memory_space<vmem>>) target(%dma_start3A_185 : memref<32x128xf32, #tpu.memory_space<hbm>>) target_semaphore(%arg35 : memref<!tpu.dma_semaphore, #tpu.memory_space<semaphore_mem>>)
      %dma_start3A_186 = arith.constant 0 : i32
      %dma_start3A_187 = tpu.memref_slice %arg7[%add3A_177, %dma_start3A_186] : memref<16384x128xf32, #tpu.memory_space<hbm>> -> memref<32x128xf32, #tpu.memory_space<hbm>>
      %dma_start3A_188 = arith.constant 0 : i32
      %dma_start3A_189 = tpu.memref_slice %arg7[%add3A_177, %dma_start3A_188] : memref<16384x128xf32, #tpu.memory_space<hbm>> -> memref<32x128xf32, #tpu.memory_space<hbm>>
      tpu.enqueue_dma source(%arg27 : memref<32x128xf32, #tpu.memory_space<vmem>>) target(%dma_start3A_189 : memref<32x128xf32, #tpu.memory_space<hbm>>) target_semaphore(%arg35 : memref<!tpu.dma_semaphore, #tpu.memory_space<semaphore_mem>>)
      %dma_start3A_190 = arith.constant 0 : i32
      %dma_start3A_191 = tpu.memref_slice %arg8[%add3A_177, %dma_start3A_190] : memref<16384x128xf32, #tpu.memory_space<hbm>> -> memref<32x128xf32, #tpu.memory_space<hbm>>
      %dma_start3A_192 = arith.constant 0 : i32
      %dma_start3A_193 = tpu.memref_slice %arg8[%add3A_177, %dma_start3A_192] : memref<16384x128xf32, #tpu.memory_space<hbm>> -> memref<32x128xf32, #tpu.memory_space<hbm>>
      tpu.enqueue_dma source(%arg28 : memref<32x128xf32, #tpu.memory_space<vmem>>) target(%dma_start3A_193 : memref<32x128xf32, #tpu.memory_space<hbm>>) target_semaphore(%arg35 : memref<!tpu.dma_semaphore, #tpu.memory_space<semaphore_mem>>)
      %dma_start3A_194 = arith.constant 0 : i32
      %dma_start3A_195 = tpu.memref_slice %arg9[%add3A_177, %dma_start3A_194] : memref<16384x128xf32, #tpu.memory_space<hbm>> -> memref<32x128xf32, #tpu.memory_space<hbm>>
      %dma_start3A_196 = arith.constant 0 : i32
      %dma_start3A_197 = tpu.memref_slice %arg9[%add3A_177, %dma_start3A_196] : memref<16384x128xf32, #tpu.memory_space<hbm>> -> memref<32x128xf32, #tpu.memory_space<hbm>>
      tpu.enqueue_dma source(%arg29 : memref<32x128xf32, #tpu.memory_space<vmem>>) target(%dma_start3A_197 : memref<32x128xf32, #tpu.memory_space<hbm>>) target_semaphore(%arg35 : memref<!tpu.dma_semaphore, #tpu.memory_space<semaphore_mem>>)
      %dma_start3A_198 = arith.constant 0 : i32
      %dma_start3A_199 = tpu.memref_slice %arg10[%add3A_177, %dma_start3A_198] : memref<16384x128xf32, #tpu.memory_space<hbm>> -> memref<32x128xf32, #tpu.memory_space<hbm>>
      %dma_start3A_200 = arith.constant 0 : i32
      %dma_start3A_201 = tpu.memref_slice %arg10[%add3A_177, %dma_start3A_200] : memref<16384x128xf32, #tpu.memory_space<hbm>> -> memref<32x128xf32, #tpu.memory_space<hbm>>
      tpu.enqueue_dma source(%arg30 : memref<32x128xf32, #tpu.memory_space<vmem>>) target(%dma_start3A_201 : memref<32x128xf32, #tpu.memory_space<hbm>>) target_semaphore(%arg35 : memref<!tpu.dma_semaphore, #tpu.memory_space<semaphore_mem>>)
      %dma_start3A_202 = arith.constant 0 : i32
      %dma_start3A_203 = tpu.memref_slice %arg11[%add3A_177, %dma_start3A_202] : memref<16384x128xi32, #tpu.memory_space<hbm>> -> memref<32x128xi32, #tpu.memory_space<hbm>>
      %dma_start3A_204 = arith.constant 0 : i32
      %dma_start3A_205 = tpu.memref_slice %arg11[%add3A_177, %dma_start3A_204] : memref<16384x128xi32, #tpu.memory_space<hbm>> -> memref<32x128xi32, #tpu.memory_space<hbm>>
      tpu.enqueue_dma source(%arg31 : memref<32x128xi32, #tpu.memory_space<vmem>>) target(%dma_start3A_205 : memref<32x128xi32, #tpu.memory_space<hbm>>) target_semaphore(%arg35 : memref<!tpu.dma_semaphore, #tpu.memory_space<semaphore_mem>>)
    }
    %scan3A_20 = arith.constant 8 : i32
    %add3A_21 = arith.constant 448 : i32
    %add3A_22 = arith.addi %mul3A_2, %add3A_21 : i32
    %dma_wait3A = arith.constant 0 : i32
    %dma_wait3A_23 = tpu.memref_slice %arg5[%add3A_22, %dma_wait3A] : memref<16384x128xf32, #tpu.memory_space<hbm>> -> memref<32x128xf32, #tpu.memory_space<hbm>>
    %dma_wait3A_24 = arith.constant 0 : i32
    %dma_wait3A_25 = tpu.memref_slice %arg5[%add3A_22, %dma_wait3A_24] : memref<16384x128xf32, #tpu.memory_space<hbm>> -> memref<32x128xf32, #tpu.memory_space<hbm>>
    tpu.wait_dma2 semaphore(%arg34 : memref<!tpu.dma_semaphore, #tpu.memory_space<semaphore_mem>>) src(%arg15 : memref<32x128xf32, #tpu.memory_space<vmem>>) dst(%dma_wait3A_25 : memref<32x128xf32, #tpu.memory_space<hbm>>)
    %dma_wait3A_26 = arith.constant 0 : i32
    %dma_wait3A_27 = tpu.memref_slice %arg6[%add3A_22, %dma_wait3A_26] : memref<16384x128xf32, #tpu.memory_space<hbm>> -> memref<32x128xf32, #tpu.memory_space<hbm>>
    %dma_wait3A_28 = arith.constant 0 : i32
    %dma_wait3A_29 = tpu.memref_slice %arg6[%add3A_22, %dma_wait3A_28] : memref<16384x128xf32, #tpu.memory_space<hbm>> -> memref<32x128xf32, #tpu.memory_space<hbm>>
    tpu.wait_dma2 semaphore(%arg34 : memref<!tpu.dma_semaphore, #tpu.memory_space<semaphore_mem>>) src(%arg16 : memref<32x128xf32, #tpu.memory_space<vmem>>) dst(%dma_wait3A_29 : memref<32x128xf32, #tpu.memory_space<hbm>>)
    %dma_wait3A_30 = arith.constant 0 : i32
    %dma_wait3A_31 = tpu.memref_slice %arg7[%add3A_22, %dma_wait3A_30] : memref<16384x128xf32, #tpu.memory_space<hbm>> -> memref<32x128xf32, #tpu.memory_space<hbm>>
    %dma_wait3A_32 = arith.constant 0 : i32
    %dma_wait3A_33 = tpu.memref_slice %arg7[%add3A_22, %dma_wait3A_32] : memref<16384x128xf32, #tpu.memory_space<hbm>> -> memref<32x128xf32, #tpu.memory_space<hbm>>
    tpu.wait_dma2 semaphore(%arg34 : memref<!tpu.dma_semaphore, #tpu.memory_space<semaphore_mem>>) src(%arg17 : memref<32x128xf32, #tpu.memory_space<vmem>>) dst(%dma_wait3A_33 : memref<32x128xf32, #tpu.memory_space<hbm>>)
    %dma_wait3A_34 = arith.constant 0 : i32
    %dma_wait3A_35 = tpu.memref_slice %arg8[%add3A_22, %dma_wait3A_34] : memref<16384x128xf32, #tpu.memory_space<hbm>> -> memref<32x128xf32, #tpu.memory_space<hbm>>
    %dma_wait3A_36 = arith.constant 0 : i32
    %dma_wait3A_37 = tpu.memref_slice %arg8[%add3A_22, %dma_wait3A_36] : memref<16384x128xf32, #tpu.memory_space<hbm>> -> memref<32x128xf32, #tpu.memory_space<hbm>>
    tpu.wait_dma2 semaphore(%arg34 : memref<!tpu.dma_semaphore, #tpu.memory_space<semaphore_mem>>) src(%arg18 : memref<32x128xf32, #tpu.memory_space<vmem>>) dst(%dma_wait3A_37 : memref<32x128xf32, #tpu.memory_space<hbm>>)
    %dma_wait3A_38 = arith.constant 0 : i32
    %dma_wait3A_39 = tpu.memref_slice %arg9[%add3A_22, %dma_wait3A_38] : memref<16384x128xf32, #tpu.memory_space<hbm>> -> memref<32x128xf32, #tpu.memory_space<hbm>>
    %dma_wait3A_40 = arith.constant 0 : i32
    %dma_wait3A_41 = tpu.memref_slice %arg9[%add3A_22, %dma_wait3A_40] : memref<16384x128xf32, #tpu.memory_space<hbm>> -> memref<32x128xf32, #tpu.memory_space<hbm>>
    tpu.wait_dma2 semaphore(%arg34 : memref<!tpu.dma_semaphore, #tpu.memory_space<semaphore_mem>>) src(%arg19 : memref<32x128xf32, #tpu.memory_space<vmem>>) dst(%dma_wait3A_41 : memref<32x128xf32, #tpu.memory_space<hbm>>)
    %dma_wait3A_42 = arith.constant 0 : i32
    %dma_wait3A_43 = tpu.memref_slice %arg10[%add3A_22, %dma_wait3A_42] : memref<16384x128xf32, #tpu.memory_space<hbm>> -> memref<32x128xf32, #tpu.memory_space<hbm>>
    %dma_wait3A_44 = arith.constant 0 : i32
    %dma_wait3A_45 = tpu.memref_slice %arg10[%add3A_22, %dma_wait3A_44] : memref<16384x128xf32, #tpu.memory_space<hbm>> -> memref<32x128xf32, #tpu.memory_space<hbm>>
    tpu.wait_dma2 semaphore(%arg34 : memref<!tpu.dma_semaphore, #tpu.memory_space<semaphore_mem>>) src(%arg20 : memref<32x128xf32, #tpu.memory_space<vmem>>) dst(%dma_wait3A_45 : memref<32x128xf32, #tpu.memory_space<hbm>>)
    %dma_wait3A_46 = arith.constant 0 : i32
    %dma_wait3A_47 = tpu.memref_slice %arg11[%add3A_22, %dma_wait3A_46] : memref<16384x128xi32, #tpu.memory_space<hbm>> -> memref<32x128xi32, #tpu.memory_space<hbm>>
    %dma_wait3A_48 = arith.constant 0 : i32
    %dma_wait3A_49 = tpu.memref_slice %arg11[%add3A_22, %dma_wait3A_48] : memref<16384x128xi32, #tpu.memory_space<hbm>> -> memref<32x128xi32, #tpu.memory_space<hbm>>
    tpu.wait_dma2 semaphore(%arg34 : memref<!tpu.dma_semaphore, #tpu.memory_space<semaphore_mem>>) src(%arg21 : memref<32x128xi32, #tpu.memory_space<vmem>>) dst(%dma_wait3A_49 : memref<32x128xi32, #tpu.memory_space<hbm>>)
    %add3A_50 = arith.constant 480 : i32
    %add3A_51 = arith.addi %mul3A_2, %add3A_50 : i32
    %dma_wait3A_52 = arith.constant 0 : i32
    %dma_wait3A_53 = tpu.memref_slice %arg5[%add3A_51, %dma_wait3A_52] : memref<16384x128xf32, #tpu.memory_space<hbm>> -> memref<32x128xf32, #tpu.memory_space<hbm>>
    %dma_wait3A_54 = arith.constant 0 : i32
    %dma_wait3A_55 = tpu.memref_slice %arg5[%add3A_51, %dma_wait3A_54] : memref<16384x128xf32, #tpu.memory_space<hbm>> -> memref<32x128xf32, #tpu.memory_space<hbm>>
    tpu.wait_dma2 semaphore(%arg35 : memref<!tpu.dma_semaphore, #tpu.memory_space<semaphore_mem>>) src(%arg25 : memref<32x128xf32, #tpu.memory_space<vmem>>) dst(%dma_wait3A_55 : memref<32x128xf32, #tpu.memory_space<hbm>>)
    %dma_wait3A_56 = arith.constant 0 : i32
    %dma_wait3A_57 = tpu.memref_slice %arg6[%add3A_51, %dma_wait3A_56] : memref<16384x128xf32, #tpu.memory_space<hbm>> -> memref<32x128xf32, #tpu.memory_space<hbm>>
    %dma_wait3A_58 = arith.constant 0 : i32
    %dma_wait3A_59 = tpu.memref_slice %arg6[%add3A_51, %dma_wait3A_58] : memref<16384x128xf32, #tpu.memory_space<hbm>> -> memref<32x128xf32, #tpu.memory_space<hbm>>
    tpu.wait_dma2 semaphore(%arg35 : memref<!tpu.dma_semaphore, #tpu.memory_space<semaphore_mem>>) src(%arg26 : memref<32x128xf32, #tpu.memory_space<vmem>>) dst(%dma_wait3A_59 : memref<32x128xf32, #tpu.memory_space<hbm>>)
    %dma_wait3A_60 = arith.constant 0 : i32
    %dma_wait3A_61 = tpu.memref_slice %arg7[%add3A_51, %dma_wait3A_60] : memref<16384x128xf32, #tpu.memory_space<hbm>> -> memref<32x128xf32, #tpu.memory_space<hbm>>
    %dma_wait3A_62 = arith.constant 0 : i32
    %dma_wait3A_63 = tpu.memref_slice %arg7[%add3A_51, %dma_wait3A_62] : memref<16384x128xf32, #tpu.memory_space<hbm>> -> memref<32x128xf32, #tpu.memory_space<hbm>>
    tpu.wait_dma2 semaphore(%arg35 : memref<!tpu.dma_semaphore, #tpu.memory_space<semaphore_mem>>) src(%arg27 : memref<32x128xf32, #tpu.memory_space<vmem>>) dst(%dma_wait3A_63 : memref<32x128xf32, #tpu.memory_space<hbm>>)
    %dma_wait3A_64 = arith.constant 0 : i32
    %dma_wait3A_65 = tpu.memref_slice %arg8[%add3A_51, %dma_wait3A_64] : memref<16384x128xf32, #tpu.memory_space<hbm>> -> memref<32x128xf32, #tpu.memory_space<hbm>>
    %dma_wait3A_66 = arith.constant 0 : i32
    %dma_wait3A_67 = tpu.memref_slice %arg8[%add3A_51, %dma_wait3A_66] : memref<16384x128xf32, #tpu.memory_space<hbm>> -> memref<32x128xf32, #tpu.memory_space<hbm>>
    tpu.wait_dma2 semaphore(%arg35 : memref<!tpu.dma_semaphore, #tpu.memory_space<semaphore_mem>>) src(%arg28 : memref<32x128xf32, #tpu.memory_space<vmem>>) dst(%dma_wait3A_67 : memref<32x128xf32, #tpu.memory_space<hbm>>)
    %dma_wait3A_68 = arith.constant 0 : i32
    %dma_wait3A_69 = tpu.memref_slice %arg9[%add3A_51, %dma_wait3A_68] : memref<16384x128xf32, #tpu.memory_space<hbm>> -> memref<32x128xf32, #tpu.memory_space<hbm>>
    %dma_wait3A_70 = arith.constant 0 : i32
    %dma_wait3A_71 = tpu.memref_slice %arg9[%add3A_51, %dma_wait3A_70] : memref<16384x128xf32, #tpu.memory_space<hbm>> -> memref<32x128xf32, #tpu.memory_space<hbm>>
    tpu.wait_dma2 semaphore(%arg35 : memref<!tpu.dma_semaphore, #tpu.memory_space<semaphore_mem>>) src(%arg29 : memref<32x128xf32, #tpu.memory_space<vmem>>) dst(%dma_wait3A_71 : memref<32x128xf32, #tpu.memory_space<hbm>>)
    %dma_wait3A_72 = arith.constant 0 : i32
    %dma_wait3A_73 = tpu.memref_slice %arg10[%add3A_51, %dma_wait3A_72] : memref<16384x128xf32, #tpu.memory_space<hbm>> -> memref<32x128xf32, #tpu.memory_space<hbm>>
    %dma_wait3A_74 = arith.constant 0 : i32
    %dma_wait3A_75 = tpu.memref_slice %arg10[%add3A_51, %dma_wait3A_74] : memref<16384x128xf32, #tpu.memory_space<hbm>> -> memref<32x128xf32, #tpu.memory_space<hbm>>
    tpu.wait_dma2 semaphore(%arg35 : memref<!tpu.dma_semaphore, #tpu.memory_space<semaphore_mem>>) src(%arg30 : memref<32x128xf32, #tpu.memory_space<vmem>>) dst(%dma_wait3A_75 : memref<32x128xf32, #tpu.memory_space<hbm>>)
    %dma_wait3A_76 = arith.constant 0 : i32
    %dma_wait3A_77 = tpu.memref_slice %arg11[%add3A_51, %dma_wait3A_76] : memref<16384x128xi32, #tpu.memory_space<hbm>> -> memref<32x128xi32, #tpu.memory_space<hbm>>
    %dma_wait3A_78 = arith.constant 0 : i32
    %dma_wait3A_79 = tpu.memref_slice %arg11[%add3A_51, %dma_wait3A_78] : memref<16384x128xi32, #tpu.memory_space<hbm>> -> memref<32x128xi32, #tpu.memory_space<hbm>>
    tpu.wait_dma2 semaphore(%arg35 : memref<!tpu.dma_semaphore, #tpu.memory_space<semaphore_mem>>) src(%arg31 : memref<32x128xi32, #tpu.memory_space<vmem>>) dst(%dma_wait3A_79 : memref<32x128xi32, #tpu.memory_space<hbm>>)
    return
  }
}

</mosaic_0001>

<sc_bundles>
// kernel: _full.3.cloned.1.call-start
scs
__scs_entry_jumppad:
0x0: {  	(pc) =	sbr.rel $0x88, $3  }
0x1: {  	(tag) =	ssettag $0x0;
	lr =	simm.s32 $0x1  }
0x2: {  	[smem:$0x3FA0] =	sst lr;
	_ =	strace $0xD0000000  }
0x3: {  	_ = 	snop  }
0x4: {  	_ = 	snop  }
0x5: {  	_ = 	snop  }
0x6: {  	_ = 	snop  }
0x7: {  	_ = 	snop  }
__scs_overlays_trampoline_lowered:
0x8: {  	[smem:$0x3FAF] =	sst s0  }
0x9: {  	[smem:$0x3FB0] =	sst s1  }
0xa: {  	[smem:$0x3FB1] =	sst s2  }
0xb: {  	[smem:$0x3FB2] =	sst s3  }
0xc: {  	[smem:$0x3FB3] =	sst s4  }
0xd: {  	[smem:$0x3FB4] =	sst s5  }
0xe: {  	[smem:$0x3FB5] =	sst s6  }
0xf: {  	[smem:$0x3FB6] =	sst s7  }
0x10: {  	[smem:$0x3FB7] =	sst s8  }
0x11: {  	[smem:$0x3FB8] =	sst s9;
	s0 =	simm.s32 @!p0 $0x0  }
0x12: {  	s1 =	sld [smem:$0x3F9E];
	s0 =	simm.s32 @p0 $0x1  }
0x13: {  	[smem:$0x3FB9] =	sst s0;
	s0 =	simm.s32 @!p1 $0x0  }
0x14: {  	s2 =	sld [smem:$0x3F9D];
	s0 =	simm.s32 @p1 $0x1  }
0x15: {  	[smem:$0x3FBA] =	sst s0;
	s0 =	simm.s32 @!p2 $0x0  }
0x16: {  	s3 =	sld [smem:$0x3FDB];
	s0 =	simm.s32 @p2 $0x1  }
0x17: {  	s4 =	simm.s32 $0x1BF5;
	[smem:$0x3FBC] =	sst s0  }
0x18: {  	s0 =	sld [smem:$0x3F9F];
	_ =	swait.ge [sflag:s4], $0x0  }
0x19: {  	s7 =	sld [smem:$0x3FA0]  }
0x1a: {  	s8 =	sadd.s32 $0xFFFFE003, lr  }
0x1b: {  	s9 =	sadd.s32 $0xFFFFFEF7, lr;
	s5 =	simm.s32 $0xFFFFFFFF;
	p2 =	slt.u32 s8, $0xFFFFF086  }
0x1c: {  	p1 =	slt.u32 s9, $0xF7A;
	s5 =	simm.s32 @!p2 $0x0  }
0x1d: {  	s5 =	simm.s32 @p1 $0x1;
	p0 =	seq.s32 s7, s2  }
0x1e: {  	s7 =	smul.u32 @!p0 $0xF7A, s2;
	p2 =	seq.s32 @!p0 s5, $0x0  }
0x1f: {  	s9 =	smul.u32 $0xF7A, s1;
	s8 =	simm.s32 @!p0 $0x1BF5;
	p2 =	por !p2, p0  }
0x20: {  	[sflag:s8] =	ssyncset.s32 @!p0 $0xFFFFF086;
	s6 =	sadd.s32 @!p0 s3, s7;
	s7 =	simm.s32 @!p0 $0x108  }
0x21: {  	s3 =	sadd.s32 s3, s9;
	s6 =	sadd.s32 @!p0 $0x88, s6;
	s7 =	simm.s32 @p2 $0x1082  }
0x22: {  	[simem:s7], [sflag:s8] =	dma.local @!p0 [hbm:s6], $0xF7A  }
0x23: {  	s9 =	sor.u32 $0xD0000000, s2;
	s6 =	simm.s32 $0x108;
	_ =	swait.ge @!p0 [sflag:s8], $0x0  }
0x24: {  	s3 =	sadd.s32 $0x88, s3;
	s6 =	simm.s32 @!p1 $0x1082;
	[sflag:s4] =	ssyncset.s32 $0xFFFFF086  }
0x25: {  	[simem:s6], [sflag:s4] =	dma.local [hbm:s3], $0xF7A  }
0x26: {  	[smem:$0x3FA0] =	sst s1;
	(tag) =	ssettag s2;
	_ =	strace s9  }
0x27: {  	s1 =	sld [smem:$0x3FB0]  }
0x28: {  	s2 =	sld [smem:$0x3FB1]  }
0x29: {  	s4 =	sld [smem:$0x3FB3]  }
0x2a: {  	p0 =	seq.s32 s5, $0x0;
	s5 =	sld [smem:$0x3FB4]  }
0x2b: {  	s6 =	sld [smem:$0x3FB5]  }
0x2c: {  	s7 =	sld [smem:$0x3FB6]  }
0x2d: {  	s3 =	simm.s32 $0x108;
	s8 =	sld [smem:$0x3FB7]  }
0x2e: {  	s3 =	simm.s32 @!p0 $0x1082;
	s9 =	sld [smem:$0x3FB8]  }
0x2f: {  	lr =	sadd.s32 s0, s3;
	s0 =	sld [smem:$0x3FAF]  }
0x30: {  	s3 =	sld [smem:$0x3FB2]  }
0x31: {  	[smem:$0x3FBB] =	sst s10  }
0x32: {  	s10 =	sld [smem:$0x3FB9];
	_ =	sdelay $0x3  }
0x33: {  	p0 =	seq.s32 s10, $0x1;
	s10 =	sld [smem:$0x3FBB];
	_ =	sdelay $0x3  }
0x34: {  	[smem:$0x3FBB] =	sst s10  }
0x35: {  	s10 =	sld [smem:$0x3FBA];
	_ =	sdelay $0x3  }
0x36: {  	p1 =	seq.s32 s10, $0x1;
	s10 =	sld [smem:$0x3FBB];
	_ =	sdelay $0x3  }
0x37: {  	[smem:$0x3FBB] =	sst s10  }
0x38: {  	s10 =	sld [smem:$0x3FBC]  }
0x39: {  	_ = 	snop;
	(pc) =	sbr.ind lr, $3  }
0x3a: {  	_ = 	snop  }
0x3b: {  	_ = 	snop  }
0x3c: {  	p2 =	seq.s32 s10, $0x1;
	s10 =	sld [smem:$0x3FBB]  }
0x3d: {  	_ =	shalt  }
0x3e: {  	_ =	shalt  }
0x3f: {  	_ =	shalt  }
0x40: {  	_ =	shalt  }
0x41: {  	_ =	shalt  }
0x42: {  	_ =	shalt  }
0x43: {  	_ =	shalt  }
0x44: {  	_ =	shalt  }
0x45: {  	_ =	shalt  }
0x46: {  	_ =	shalt  }
0x47: {  	_ =	shalt  }
0x48: {  	_ =	shalt  }
0x49: {  	_ =	shalt  }
0x4a: {  	_ =	shalt  }
0x4b: {  	_ =	shalt  }
0x4c: {  	_ =	shalt  }
0x4d: {  	_ =	shalt  }
0x4e: {  	_ =	shalt  }
0x4f: {  	_ =	shalt  }
0x50: {  	_ =	shalt  }
0x51: {  	_ =	shalt  }
0x52: {  	_ =	shalt  }
0x53: {  	_ =	shalt  }
0x54: {  	_ =	shalt  }
0x55: {  	_ =	shalt  }
0x56: {  	_ =	shalt  }
0x57: {  	_ =	shalt  }
0x58: {  	_ =	shalt  }
0x59: {  	_ =	shalt  }
0x5a: {  	_ =	shalt  }
0x5b: {  	_ =	shalt  }
0x5c: {  	_ =	shalt  }
0x5d: {  	_ =	shalt  }
0x5e: {  	_ =	shalt  }
0x5f: {  	_ =	shalt  }
0x60: {  	_ =	shalt  }
0x61: {  	_ =	shalt  }
0x62: {  	_ =	shalt  }
0x63: {  	_ =	shalt  }
0x64: {  	_ =	shalt  }
0x65: {  	_ =	shalt  }
0x66: {  	_ =	shalt  }
0x67: {  	_ =	shalt  }
0x68: {  	_ =	shalt  }
0x69: {  	_ =	shalt  }
0x6a: {  	_ =	shalt  }
0x6b: {  	_ =	shalt  }
0x6c: {  	_ =	shalt  }
0x6d: {  	_ =	shalt  }
0x6e: {  	_ =	shalt  }
0x6f: {  	_ =	shalt  }
0x70: {  	_ =	shalt  }
0x71: {  	_ =	shalt  }
0x72: {  	_ =	shalt  }
0x73: {  	_ =	shalt  }
0x74: {  	_ =	shalt  }
0x75: {  	_ =	shalt  }
0x76: {  	_ =	shalt  }
0x77: {  	_ =	shalt  }
0x78: {  	_ =	shalt  }
0x79: {  	_ =	shalt  }
0x7a: {  	_ =	shalt  }
0x7b: {  	_ =	shalt  }
0x7c: {  	_ =	shalt  }
0x7d: {  	_ =	shalt  }
0x7e: {  	_ =	shalt  }
0x7f: {  	_ =	shalt  }
0x80: {  	_ =	shalt  }
0x81: {  	_ =	shalt  }
0x82: {  	_ =	shalt  }
0x83: {  	_ =	shalt  }
0x84: {  	_ =	shalt  }
0x85: {  	_ =	shalt  }
0x86: {  	_ =	shalt  }
0x87: {  	_ =	shalt  }
.Lfunc_end0:
.L_simem_size_0:
called_computation_lowered:
.L_overlay_start_0:
0x88: {  	s2 =	sld [smem:$0x3FD9]  }
0x89: {  	s3 =	sld [smem:$0x3FFE];
	_ =	sdelay $0x1  }
0x8a: {  	s1 =	srdreg.scid  }
0x8b: {  	s0 =	sand.u32 $0x1, s1  }
0x8c: {  	s14 =	sshll.u32 s0, $0xA;
	s2 =	sadd.s32 s3, s2  }
0x8d: {  	s2 =	sadd.s32 s2, s14  }
0x8e: {  	[smem:$0x3FC7] =	sst s2  }
0x8f: {  	_ = 	snop  }
0x90: {  	s2 =	sld [smem:$0x3FD0];
	_ =	sdelay $0x2  }
0x91: {  	s15 =	simm.s32 $0xA;
	s4 =	simm.s32 $0x10  }
0x92: {  	[smem:s4], [sflag:s15] =	dma.local [hbm:s2], $0x1  }
0x93: {  	_ =	swait.eq [sflag:s15], $0x1  }
0x94: {  	[sflag:s15] =	ssyncset.done $0x0  }
0x95: {  	s16 =	sld [smem:$0x10];
	[sflag:s15] =	ssyncadd.s32 $0xFFFFFFFF  }
0x96: {  	s17 =	sld [smem:$0x11];
	(tm) =	ssettm $0x1  }
0x97: {  	s18 =	sld [smem:$0x3FFB];
	_ =	sdelay $0x3  }
0x98: {  	_ =	strace s18  }
0x99: {  	s4 =	sld [smem:$0x3FFC];
	_ =	sdelay $0x3  }
0x9a: {  	_ =	strace s4  }
0x9b: {  	s4 =	sld [smem:$0x3FFD];
	_ =	sdelay $0x3  }
0x9c: {  	_ =	strace s4  }
0x9d: {  	_ =	strace $0x8FFFFFFF  }
0x9e: {  	s19 =	sld [smem:$0x3FDB];
	_ =	sdelay $0x1  }
0x9f: {  	s5 =	simm.s32 $_scs_section_size  }
0xa0: {  	s6 =	simm.s32 $_size__tile_overlayer_lowered;
	s7 =	simm.s32 $_tile_overlayer_lowered  }
0xa1: {  	s22 =	simm.s32 $0x1BFF;
	s21 =	sshll.u32 s7, $0x1;
	s4 =	sadd.s32 s5, s19  }
0xa2: {  	s8 =	simm.s32 $0x0;
	s20 =	sshll.u32 s6, $0x1;
	s6 =	sadd.s32 s21, s4  }
0xa3: {  	[timem:s8], [sflag:s22] =	dma.local [hbm:s6], s20  }
0xa4: {  	_ =	swait.ge [sflag:s22], s20  }
0xa5: {  	s5 =	ssub.s32 $0x0, s20;
	[sflag:s22] =	ssyncset.done $0x0  }
0xa6: {  	[sflag:s22] =	ssyncadd.s32 s5;
	_ =	sdelay $0x1  }
0xa7: {  	s23 =	simm.s32 $0x1B8B  }
0xa8: {  	_ =	swait.ge [sflag:s23], $0x1  }
0xa9: {  	[sflag:s23] =	ssyncset.done $0x0  }
0xaa: {  	s25 =	simm.s32 $0x1B8E;
	s24 =	sld [smem:$0x3FFE];
	[sflag:s23] =	ssyncadd.s32 $0xFFFFFFFF  }
0xab: {  	s26 =	simm.s32 $execute0_lowered;
	[smem:$0x3FD2] =	sst s25  }
0xac: {  	s6 =	sshll.u32 s26, $0x1;
	_ =	strace $0x80000046;
	[dreg:$0x1] =	wrdreg $0xFFFFFFFF  }
0xad: {  	s28 =	simm.s32 $_size_execute0_lowered;
	s4 =	sadd.s32 s4, s6;
	[dreg:$0x0] =	wrdreg $0x0  }
0xae: {  	s6 =	sshll.u32 s28, $0x1;
	[dreg:$0x2] =	wrdreg s4  }
0xaf: {  	[dreg:$0x3] =	wrdreg s6  }
0xb0: {  	[dreg:$0x4] =	wrdreg $0xC0  }
0xb1: {  	_ =	task [dreg:s8], $0x5FFFF  }
0xb2: {  	[dreg:$0x1] =	wrdreg $0xFFFFFFFF  }
0xb3: {  	[dreg:$0x0] =	wrdreg $0x60  }
0xb4: {  	[dreg:$0x2] =	wrdreg s24  }
0xb5: {  	[dreg:$0x3] =	wrdreg s16  }
0xb6: {  	[dreg:$0x4] =	wrdreg s17  }
0xb7: {  	[dreg:$0x5] =	wrdreg $0x9  }
0xb8: {  	_ =	task.clear_ibuf [dreg:s8], $0x6FFFF;
	_ =	strace $0x90000046  }
0xb9: {  	s29 =	simm.s32 $0x9;
	_ =	strace $0x80000048  }
0xba: {  	_ =	swait.ge [sflag:s29], $0x1  }
0xbb: {  	[sflag:s29] =	ssyncadd.s32 $0xFFFFFFFF  }
0xbc: {  	_ =	strace $0x90000048  }
0xbd: {  	_ =	sfence  }
0xbe: {  	s30 =	sld [smem:$0x0];
	_ =	sdelay $0x2  }
0xbf: {  	s31 =	sshll.u32 s1, $0xD;
	s1 =	sshrl.u32 s1, $0x2  }
0xc0: {  	s3 =	sand.u32 $0x4000, s31;
	s1 =	sadd.s32 s1, s30  }
0xc1: {  	s0 =	sor.u32 s3, s0;
	s1 =	sshll.u32 s1, $0x11  }
0xc2: {  	s0 =	sor.u32 s1, s0  }
0xc3: {  	s0 =	sadd.s32 $0x8F2B, s0  }
0xc4: {  	[sflag:s0] =	ssyncadd.remote.s32 $0x1  }
0xc5: {  	_ =	sfence.sel $0xFFFF  }
0xc6: {  	[dreg:$0x0] =	wrdreg $0xFFFFFFFF;
	(pc) =	sbr.abs _section_cstart, $3  }
0xc7: {  	[dreg:$0x1] =	wrdreg $0xFFFFFFFF  }
0xc8: {  	_ =	task.clear_ibuf [dreg:s8], $0x2FFFF;
	_ =	strace $0x9FFFFFFF  }
0xc9: {  	(tm) =	ssettm $0x7FFFFFFF  }
tec
execute0_lowered:
.L_overlay_start_1:
0x0: {  	(tag) =	ssettag $0x1  }
0x1: {  	s0 =	rddreg [dreg:$0x0]  }
0x2: {  	s1 =	rddreg [dreg:$0x1]  }
0x3: {  	s2 =	rddreg [dreg:$0x2];
	s3 =	simm.s32 $0x0  }
0x4: {  	s8 =	srdreg.scid;
	s12 =	stileid.u32;
	s25 =	simm.s32 $0x1  }
0x5: {  	s20 =	simm.s32 $0x2;
	s23 =	simm.s32 $0x13000;
	[smem:$0x7FF] =	sst s3  }
0x6: {  	s4 =	sadd.s32 $0xE00, s0;
	s5 =	sadd.s32 $0x80E00, s0;
	s8 =	sand.u32 $0x1, s8  }
0x7: {  	s6 =	sadd.s32 $0xC0E00, s0;
	s7 =	sadd.s32 $0x100E00, s0;
	s13 =	ssub.s32 $0x2, s8  }
0x8: {  	s15 =	sshll.u32 s12, $0xE;
	s8 =	sshll.u32 s8, $0xD;
	s14 =	sshrl.u32 s13, $0x1  }
0x9: {  	s9 =	sadd.s32 $0x140E00, s0;
	s29 =	ssub.s32 s13, s14;
	s13 =	sor.u32 s8, s15  }
0xa: {  	s10 =	sadd.s32 $0x180E00, s0;
	s11 =	sadd.s32 $0x1C0E00, s0;
	s8 =	sadd.s32 s4, s13  }
0xb: {  	_ =	strace $0x80000047;
	s30 =	sadd.s32 s1, s13;
	[dreg:$0x4] =	wrdreg s8  }
0xc: {  	s12 =	sadd.s32 $0x40E00, s0;
	s31 =	sadd.s32 s2, s13;
	[dreg:$0x5] =	wrdreg s30  }
0xd: {  	s14 =	simm.s32 $0x0;
	s0 =	smax.u32 s29, $0x1;
	[dreg:$0x6] =	wrdreg s31  }
0xe: {  	v0 =	vimm.s32 $0x0;
	s17 =	sor.u32 $0x200, s13;
	s18 =	sor.u32 $0x400, s13;
	[dreg:$0x7] =	wrdreg s0  }
.LBB2_1:
0xf: {  	[dreg:$0x8] =	wrdreg s14  }
0x10: {  	s0 =	rddreg [dreg:$0x4]  }
0x11: {  	[tilespmem:s3], [sflag:$0x1] =	stream.linear.gather [hbm4b:s0+s3], $0x1000, $0x38;
	[tilespmem:$0x14000] =	vst v63  }
0x12: {  	s29 =	rddreg [dreg:$0x5];
	s8 =	simm.s32 $0x1000  }
0x13: {  	[tilespmem:s8], [sflag:$0x1] =	stream.linear.gather [hbm4b:s29+s3], $0x1000, $0x38;
	[tilespmem:$0x14000] =	vst v63  }
0x14: {  	s30 =	rddreg [dreg:$0x6];
	s31 =	simm.s32 $0x2000;
	s24 =	simm.s32 $0x0  }
0x15: {  	[tilespmem:s31], [sflag:$0x1] =	stream.linear.gather [hbm4b:s30+s3], $0x1000, $0x38;
	[tilespmem:$0x14000] =	vst v63  }
.LBB2_2:
0x16: {  	s28 =	sshll.u32 s24, $0xA  }
0x17: {  	s26 =	sadd.s32 s17, s28  }
0x18: {  	s8 =	simm.s32 $0xA000;
	s0 =	sadd.s32 s4, s26  }
0x19: {  	[tilespmem:s8], [sflag:$0x2] =	stream.linear.gather [hbm4b:s0+s3], $0x1000, $0x38;
	[tilespmem:$0x14000] =	vst v63  }
0x1a: {  	s16 =	simm.s32 $0xB000;
	s15 =	sadd.s32 s1, s26  }
0x1b: {  	[tilespmem:s16], [sflag:$0x2] =	stream.linear.gather [hbm4b:s15+s3], $0x1000, $0x38;
	[tilespmem:$0x14000] =	vst v63  }
0x1c: {  	s21 =	simm.s32 $0xC000;
	s19 =	sadd.s32 s2, s26  }
0x1d: {  	[tilespmem:s21], [sflag:$0x2] =	stream.linear.gather [hbm4b:s19+s3], $0x1000, $0x38;
	[tilespmem:$0x14000] =	vst v63  }
0x1e: {  	_ =	swait.ge [sflag:s25], $0x1000  }
0x1f: {  	[sflag:s25] =	ssyncset.done $0x0  }
0x20: {  	[sflag:s25] =	ssyncadd.s32 $0xFFFFF000  }
0x21: {  	_ =	swait.ge [sflag:s25], $0x1000  }
0x22: {  	[sflag:s25] =	ssyncset.done $0x0  }
0x23: {  	[sflag:s25] =	ssyncadd.s32 $0xFFFFF000  }
0x24: {  	_ =	swait.ge [sflag:s25], $0x1000  }
0x25: {  	p0 =	seq.s32 s24, $0x0;
	[sflag:s25] =	ssyncset.done $0x0  }
0x26: {  	s0 =	simm.s32 @!p0 $0x3;
	[sflag:s25] =	ssyncadd.s32 $0xFFFFF000  }
0x27: {  	_ =	swait.ge @!p0 [sflag:s0], $0x1000  }
0x28: {  	[sflag:s0] =	ssyncset.done @!p0 $0x0  }
0x29: {  	[sflag:s0] =	ssyncadd.s32 @!p0 $0xFFFFF000  }
0x2a: {  	_ =	swait.ge @!p0 [sflag:s0], $0x1000  }
0x2b: {  	[sflag:s0] =	ssyncset.done @!p0 $0x0  }
0x2c: {  	[sflag:s0] =	ssyncadd.s32 @!p0 $0xFFFFF000  }
0x2d: {  	_ =	swait.ge @!p0 [sflag:s0], $0x1000  }
0x2e: {  	[sflag:s0] =	ssyncset.done @!p0 $0x0  }
0x2f: {  	[sflag:s0] =	ssyncadd.s32 @!p0 $0xFFFFF000  }
0x30: {  	_ =	swait.ge @!p0 [sflag:s0], $0x1000  }
0x31: {  	[sflag:s0] =	ssyncset.done @!p0 $0x0  }
0x32: {  	[sflag:s0] =	ssyncadd.s32 @!p0 $0xFFFFF000  }
0x33: {  	_ =	swait.ge @!p0 [sflag:s0], $0x1000  }
0x34: {  	[sflag:s0] =	ssyncset.done @!p0 $0x0  }
0x35: {  	[sflag:s0] =	ssyncadd.s32 @!p0 $0xFFFFF000  }
0x36: {  	_ =	swait.ge @!p0 [sflag:s0], $0x1000  }
0x37: {  	[sflag:s0] =	ssyncset.done @!p0 $0x0  }
0x38: {  	[sflag:s0] =	ssyncadd.s32 @!p0 $0xFFFFF000  }
0x39: {  	_ =	swait.ge @!p0 [sflag:s0], $0x1000  }
0x3a: {  	[sflag:s0] =	ssyncset.done @!p0 $0x0  }
0x3b: {  	s22 =	simm.s32 $0x40;
	[sflag:s0] =	ssyncadd.s32 @!p0 $0xFFFFF000  }
0x3c: {  	s29 =	simm.s32 $0x1040;
	v21 =	vld [tilespmem:s22+$0x30]  }
0x3d: {  	v19 =	vld [tilespmem:s29+$0x30]  }
0x3e: {  	s30 =	simm.s32 $0x2040;
	v22 =	vld [tilespmem:s29+$0xFFFFFFC0]  }
0x3f: {  	v20 =	vld [tilespmem:s30+$0x30]  }
0x40: {  	v10 =	vld [tilespmem:s22+$0xFFFFFFD0]  }
0x41: {  	v13 =	vld [tilespmem:s29+$0xFFFFFFD0]  }
0x42: {  	v9 =	vld [tilespmem:s22+$0xFFFFFFE0]  }
0x43: {  	v11 =	vld [tilespmem:s29+$0xFFFFFFE0]  }
0x44: {  	v8 =	vld [tilespmem:s22+$0xFFFFFFF0]  }
0x45: {  	v4 =	vld [tilespmem:s22+$0x0]  }
0x46: {  	v5 =	vld [tilespmem:s29+$0x0]  }
0x47: {  	v3 =	vld [tilespmem:s22+$0x10];
	v1 =	vmul.f32 v21, v21;
	v2 =	vmul.f32 v19, v19  }
0x48: {  	v6 =	vld [tilespmem:s29+$0x10];
	v17 =	vmul.f32 v9, v9;
	v18 =	vmul.f32 v11, v11  }
0x49: {  	v27 =	vld [tilespmem:s30+$0xFFFFFFC0];
	v1 =	vadd.f32 v2, v1;
	v2 =	vmul.f32 v20, v20  }
0x4a: {  	v7 =	vmul.f32 v10, v10;
	v29 =	vadd.f32 v18, v17;
	v18 =	vld [tilespmem:s30+$0xFFFFFFD0]  }
0x4b: {  	v15 =	vmul.f32 v13, v13;
	v25 =	vmul.f32 v22, v22;
	v17 =	vld [tilespmem:s30+$0xFFFFFFE0];
	v23 =	vadd.f32 v2, v1  }
0x4c: {  	v12 =	vld [tilespmem:s29+$0xFFFFFFF0];
	v30 =	vmul.f32 v4, v4;
	v31 =	vmul.f32 v5, v5  }
0x4d: {  	v33 =	vmul.f32 v3, v3;
	v1 =	vshrl.u32 v23, $0x1;
	v24 =	vmul.f32 $5.000000000e-01, v23  }
0x4e: {  	v34 =	vmul.f32 v6, v6;
	v36 =	vmul.f32 v27, v27;
	v2 =	vld [tilespmem:s29+$0x20];
	v14 =	vsub.s32 $0x5F3759DF, v1  }
0x4f: {  	v28 =	vadd.f32 v15, v7;
	v15 =	vmul.f32 v8, v8;
	v1 =	vld [tilespmem:s22+$0x20];
	v16 =	vmul.f32 v14, v24  }
0x50: {  	v26 =	vld [tilespmem:s22+$0xFFFFFFC0];
	v30 =	vadd.f32 v31, v30;
	v55 =	vmul.f32 v18, v18;
	v38 =	vmul.f32 v17, v17  }
0x51: {  	v33 =	vadd.f32 v34, v33;
	v7 =	vmul.f32 v14, v16;
	v16 =	vmul.f32 v12, v12  }
0x52: {  	vm3 =	vgt.f32 v23, $1.000000000e+00;
	v28 =	vadd.f32 v55, v28;
	v29 =	vadd.f32 v38, v29  }
0x53: {  	v54 =	vmul.f32 v2, v2;
	v7 =	vsub.f32 $1.500000000e+00, v7;
	v32 =	vadd.f32 v16, v15;
	v16 =	vld [tilespmem:s30+$0xFFFFFFF0]  }
0x54: {  	v39 =	vshrl.u32 v28, $0x1;
	v40 =	vmul.f32 $5.000000000e-01, v29;
	v15 =	vld [tilespmem:s30+$0x0];
	v35 =	vmul.f32 v1, v1  }
0x55: {  	v61 =	vshrl.u32 v29, $0x1;
	v31 =	vmul.f32 v14, v7;
	v7 =	vmul.f32 v26, v26  }
0x56: {  	vm0 =	vgt.f32 v28, $1.000000000e+00;
	vm2 =	vgt.f32 v29, $1.000000000e+00;
	v14 =	vld [tilespmem:s30+$0x10];
	v34 =	vadd.f32 v54, v35  }
0x57: {  	v35 =	vsub.s32 $0x5F3759DF, v61;
	v37 =	vmul.f32 v31, v24;
	v25 =	vadd.f32 v25, v7  }
0x58: {  	v39 =	vsub.s32 $0x5F3759DF, v39;
	v50 =	vmul.f32 v35, v40;
	v7 =	vld [tilespmem:s30+$0x20];
	v56 =	vmul.f32 v16, v16  }
0x59: {  	v57 =	vmul.f32 v15, v15;
	v37 =	vmul.f32 v37, v31;
	v25 =	vadd.f32 v36, v25  }
0x5a: {  	v36 =	vmul.f32 $5.000000000e-01, v28;
	v28 =	vmul.f32 v35, v50;
	v32 =	vadd.f32 v56, v32  }
0x5b: {  	v59 =	vmul.f32 v14, v14;
	v30 =	vadd.f32 v57, v30;
	v37 =	vsub.f32 $1.500000000e+00, v37  }
0x5c: {  	v58 =	vshrl.u32 v25, $0x1;
	v49 =	vmul.f32 v39, v36;
	vm1 =	vgt.f32 v25, $1.000000000e+00  }
0x5d: {  	v60 =	vmul.f32 v7, v7;
	v33 =	vadd.f32 v59, v33;
	v31 =	vmul.f32 v37, v31  }
0x5e: {  	v41 =	vshrl.u32 v32, $0x1;
	v42 =	vmul.f32 $5.000000000e-01, v32;
	v43 =	vshrl.u32 v30, $0x1  }
0x5f: {  	v44 =	vmul.f32 $5.000000000e-01, v30;
	v38 =	vsub.s32 $0x5F3759DF, v58;
	v24 =	vmul.f32 v31, v24  }
0x60: {  	v37 =	vmul.f32 $5.000000000e-01, v25;
	v41 =	vsub.s32 $0x5F3759DF, v41;
	v43 =	vsub.s32 $0x5F3759DF, v43  }
0x61: {  	v34 =	vadd.f32 v60, v34;
	v46 =	vmul.f32 $5.000000000e-01, v33;
	v24 =	vmul.f32 v24, v31  }
0x62: {  	v45 =	vshrl.u32 v33, $0x1;
	v52 =	vmul.f32 v41, v42;
	v53 =	vmul.f32 v43, v44  }
0x63: {  	v45 =	vsub.s32 $0x5F3759DF, v45;
	v48 =	vmul.f32 $5.000000000e-01, v34;
	v24 =	vsub.f32 $1.500000000e+00, v24  }
0x64: {  	v47 =	vshrl.u32 v34, $0x1;
	v25 =	vmul.f32 v45, v46;
	v63 =	vmul.f32 v43, v53  }
0x65: {  	v62 =	vmul.f32 v41, v52;
	v47 =	vsub.s32 $0x5F3759DF, v47;
	v24 =	vmul.f32 v24, v31  }
0x66: {  	v49 =	vmul.f32 v39, v49;
	v54 =	vmul.f32 v47, v48;
	v52 =	vsub.f32 $1.500000000e+00, v63  }
0x67: {  	v25 =	vmul.f32 v45, v25;
	v50 =	vsub.f32 $1.500000000e+00, v62;
	v51 =	vadd.f32 v24, v24  }
0x68: {  	v28 =	vsub.f32 $1.500000000e+00, v28;
	v29 =	vmul.f32 v43, v52;
	v31 =	vmul.f32 v38, v37  }
0x69: {  	v54 =	vmul.f32 v47, v54;
	v23 =	vmul.f32 v41, v50;
	v51 =	vadd.f32 $-1.000000000e+00, v51  }
0x6a: {  	vm6 =	vgt.f32 v33, $1.000000000e+00;
	v58 =	vmul.f32 v29, v44;
	v31 =	vmul.f32 v38, v31  }
0x6b: {  	v56 =	vmul.f32 v24, v21;
	v57 =	vmul.f32 v24, v19;
	v51 =	vmin.f32 v51, $1.000000000e+00  }
0x6c: {  	v33 =	vmul.f32 v58, v29;
	v31 =	vsub.f32 $1.500000000e+00, v31;
	v53 =	vmul.f32 v51, v21  }
0x6d: {  	v49 =	vsub.f32 $1.500000000e+00, v49;
	v55 =	vmul.f32 v51, v19;
	v51 =	vmul.f32 v51, v20  }
0x6e: {  	v21 =	vsub.f32 $1.500000000e+00, v25;
	v25 =	vmul.f32 v38, v31;
	v31 =	vmul.f32 v24, v20  }
0x6f: {  	v19 =	vsub.f32 $1.500000000e+00, v54;
	v20 =	vmul.f32 v39, v49;
	v24 =	vmul.f32 v35, v28  }
0x70: {  	vm4 =	vgt.f32 v32, $1.000000000e+00;
	v54 =	vmul.f32 v23, v42;
	v21 =	vmul.f32 v45, v21  }
0x71: {  	vm5 =	vgt.f32 v30, $1.000000000e+00;
	v19 =	vmul.f32 v47, v19;
	v28 =	vmul.f32 v25, v37  }
0x72: {  	vm15 =	vgt.f32 v34, $1.000000000e+00;
	v52 =	vmul.f32 v20, v36;
	v30 =	vmul.f32 v24, v40  }
0x73: {  	v35 =	vsel vm3, $0x1, v0;
	v59 =	vmul.f32 v21, v46;
	v28 =	vmul.f32 v28, v25  }
0x74: {  	v45 =	vsel vm1, $0x1, v0;
	v60 =	vmul.f32 v19, v48;
	v32 =	vmul.f32 v52, v20  }
0x75: {  	v38 =	vmul.f32 v54, v23;
	v30 =	vmul.f32 v30, v24;
	v28 =	vsub.f32 $1.500000000e+00, v28  }
0x76: {  	v32 =	vsub.f32 $1.500000000e+00, v32;
	v39 =	vmul.f32 v59, v21;
	v34 =	vmul.f32 v60, v19  }
0x77: {  	v61 =	vmul.f32 v28, v25;
	v25 =	vsub.f32 $1.500000000e+00, v30;
	v28 =	vsub.f32 $1.500000000e+00, v38  }
0x78: {  	v30 =	vmul.f32 v32, v20;
	v20 =	vsub.f32 $1.500000000e+00, v33;
	v62 =	vsub.f32 $1.500000000e+00, v39  }
0x79: {  	v24 =	vmul.f32 v25, v24;
	v63 =	vmul.f32 v28, v23;
	v23 =	vsub.f32 $1.500000000e+00, v34  }
0x7a: {  	v28 =	vsel vm0, $0x1, v0;
	v29 =	vmul.f32 v20, v29;
	v32 =	vmul.f32 v62, v21  }
0x7b: {  	v25 =	vsel vm2, $0x1, v0;
	v49 =	vmul.f32 v61, v37;
	v36 =	vmul.f32 v30, v36  }
0x7c: {  	v21 =	vsel vm5, $0x1, v0;
	v50 =	vmul.f32 v23, v19;
	v52 =	vmul.f32 v24, v40  }
0x7d: {  	v20 =	vsel vm6, $0x1, v0;
	v54 =	vmul.f32 v63, v42;
	v58 =	vmul.f32 v29, v44  }
0x7e: {  	v23 =	vsel vm4, $0x1, v0;
	v59 =	vmul.f32 v32, v46;
	v34 =	vmul.f32 v49, v61  }
0x7f: {  	v19 =	vsel vm15, $0x1, v0;
	v36 =	vmul.f32 v36, v30;
	v60 =	vmul.f32 v50, v48  }
0x80: {  	v38 =	vmul.f32 v52, v24;
	v39 =	vmul.f32 v54, v63;
	v34 =	vsub.f32 $1.500000000e+00, v34  }
0x81: {  	v40 =	vmul.f32 v58, v29;
	v42 =	vmul.f32 v59, v32;
	v36 =	vsub.f32 $1.500000000e+00, v36  }
0x82: {  	v38 =	vsub.f32 $1.500000000e+00, v38;
	v43 =	vmul.f32 v60, v50;
	v34 =	vmul.f32 v34, v61  }
0x83: {  	s31 =	simm.s32 $0x3040;
	v39 =	vsub.f32 $1.500000000e+00, v39;
	v40 =	vsub.f32 $1.500000000e+00, v40;
	v44 =	vmul.f32 v36, v30  }
0x84: {  	s0 =	simm.s32 $0x4040;
	[tilespmem:s31+$0x30] =	vst v53;
	v30 =	vsub.f32 $1.500000000e+00, v42;
	v61 =	vsub.f32 $1.500000000e+00, v43;
	v41 =	vmul.f32 v38, v24  }
0x85: {  	s8 =	simm.s32 $0x5040;
	[tilespmem:s0+$0x30] =	vst v55;
	v62 =	vadd.f32 v34, v34;
	v36 =	vmul.f32 v39, v63;
	v33 =	vmul.f32 v40, v29  }
0x86: {  	s21 =	simm.s32 $0x6040;
	[tilespmem:s8+$0x30] =	vst v51;
	v63 =	vadd.f32 v44, v44;
	v29 =	vmul.f32 v30, v32;
	v54 =	vmul.f32 v34, v26  }
0x87: {  	[tilespmem:s21+$0x30] =	vst v56;
	v56 =	vmul.f32 v34, v22;
	v30 =	vadd.f32 v41, v41;
	v46 =	vadd.f32 v36, v36  }
0x88: {  	v24 =	vmul.f32 v61, v50;
	v47 =	vadd.f32 v33, v33;
	v38 =	vadd.f32 $-1.000000000e+00, v62  }
0x89: {  	s14 =	simm.s32 $0x7040;
	v34 =	vmul.f32 v34, v27;
	v55 =	vadd.f32 v29, v29;
	v39 =	vadd.f32 $-1.000000000e+00, v63  }
0x8a: {  	s15 =	simm.s32 $0x8040;
	[tilespmem:s14+$0x30] =	vst v57;
	v58 =	vadd.f32 v24, v24;
	v30 =	vadd.f32 $-1.000000000e+00, v30;
	v38 =	vmin.f32 v38, $1.000000000e+00  }
0x8b: {  	s16 =	simm.s32 $0x9040;
	[tilespmem:s15+$0x30] =	vst v31;
	v31 =	vadd.f32 $-1.000000000e+00, v46;
	v59 =	vadd.f32 $-1.000000000e+00, v47;
	v26 =	vmul.f32 v38, v26  }
0x8c: {  	[tilespmem:s16+$0x30] =	vst v35;
	v60 =	vmin.f32 v39, $1.000000000e+00;
	v61 =	vmul.f32 v38, v22;
	v27 =	vmul.f32 v38, v27  }
0x8d: {  	v37 =	vmul.f32 v60, v10;
	v22 =	vmul.f32 v60, v13;
	v30 =	vmin.f32 v30, $1.000000000e+00;
	[tilespmem:s31+$0xFFFFFFC0] =	vst v26  }
0x8e: {  	v62 =	vadd.f32 $-1.000000000e+00, v55;
	v50 =	vmul.f32 v60, v18;
	v49 =	vmul.f32 v30, v9;
	[tilespmem:s0+$0xFFFFFFC0] =	vst v61  }
0x8f: {  	v31 =	vmin.f32 v31, $1.000000000e+00;
	v48 =	vmul.f32 v30, v11;
	v47 =	vmul.f32 v30, v17;
	[tilespmem:s8+$0xFFFFFFC0] =	vst v27  }
0x90: {  	v30 =	vmin.f32 v59, $1.000000000e+00;
	v46 =	vmul.f32 v31, v8;
	v26 =	vmul.f32 v31, v12;
	[tilespmem:s21+$0xFFFFFFC0] =	vst v54  }
0x91: {  	v63 =	vadd.f32 $-1.000000000e+00, v58;
	v43 =	vmul.f32 v30, v4;
	v42 =	vmul.f32 v30, v5;
	[tilespmem:s14+$0xFFFFFFC0] =	vst v56  }
0x92: {  	v40 =	vmul.f32 v30, v15;
	v27 =	vmul.f32 v31, v16;
	v31 =	vmin.f32 v62, $1.000000000e+00;
	[tilespmem:s15+$0xFFFFFFC0] =	vst v34  }
0x93: {  	s19 =	simm.s32 $0x0;
	s22 =	simm.s32 $0xC0;
	v32 =	vmin.f32 v63, $1.000000000e+00;
	v35 =	vmul.f32 v31, v3;
	v34 =	vmul.f32 v31, v6;
	[tilespmem:s16+$0xFFFFFFC0] =	vst v45  }
.LBB2_3:
0x94: {  	v30 =	vld [tilespmem:s22+$0x30];
	[tilespmem:s31+$0xFFFFFFD0] =	vst v37;
	v45 =	vmul.f32 v31, v14;
	v38 =	vmul.f32 v32, v1;
	s29 =	sadd.s32 $0x80, s29  }
0x95: {  	v39 =	vmul.f32 v32, v2;
	v37 =	vmul.f32 v32, v7;
	v31 =	vld [tilespmem:s29+$0x30];
	[tilespmem:s0+$0xFFFFFFD0] =	vst v22  }
0x96: {  	v51 =	vmul.f32 v44, v13;
	s30 =	sadd.s32 $0x80, s30;
	v22 =	vld [tilespmem:s29+$0xFFFFFFC0];
	[tilespmem:s8+$0xFFFFFFD0] =	vst v50;
	v50 =	vmul.f32 v44, v10  }
0x97: {  	v18 =	vmul.f32 v44, v18;
	v44 =	vmul.f32 v41, v9;
	v32 =	vld [tilespmem:s30+$0x30];
	[tilespmem:s31+$0xFFFFFFE0] =	vst v49  }
0x98: {  	v17 =	vmul.f32 v41, v17;
	v49 =	vmul.f32 v41, v11;
	v10 =	vld [tilespmem:s22+$0xFFFFFFD0];
	[tilespmem:s21+$0xFFFFFFD0] =	vst v50  }
0x99: {  	v41 =	vmul.f32 v36, v8;
	v50 =	vmul.f32 v36, v12;
	v13 =	vld [tilespmem:s29+$0xFFFFFFD0];
	[tilespmem:s14+$0xFFFFFFD0] =	vst v51  }
0x9a: {  	v12 =	vmul.f32 v30, v30;
	v9 =	vld [tilespmem:s22+$0xFFFFFFE0];
	v51 =	vmul.f32 v31, v31;
	[tilespmem:s15+$0xFFFFFFD0] =	vst v18  }
0x9b: {  	s19 =	sadd.s32 $0x8, s19;
	v16 =	vmul.f32 v36, v16;
	v52 =	vmul.f32 v22, v22;
	v11 =	vld [tilespmem:s29+$0xFFFFFFE0];
	[tilespmem:s16+$0xFFFFFFD0] =	vst v28  }
0x9c: {  	p1 =	slt.u32 s19, $0xF8;
	v36 =	vmul.f32 v33, v4;
	v8 =	vld [tilespmem:s22+$0xFFFFFFF0];
	v18 =	vadd.f32 v51, v12;
	v28 =	vmul.f32 v32, v32;
	[tilespmem:s0+$0xFFFFFFE0] =	vst v48  }
0x9d: {  	v48 =	vmul.f32 v10, v10;
	v12 =	vld [tilespmem:s29+$0xFFFFFFF0];
	[tilespmem:s8+$0xFFFFFFE0] =	vst v47;
	v47 =	vmul.f32 v33, v5  }
0x9e: {  	v33 =	vmul.f32 v33, v15;
	v51 =	vmul.f32 v13, v13;
	v4 =	vld [tilespmem:s22+$0x0];
	v28 =	vadd.f32 v28, v18;
	[tilespmem:s21+$0xFFFFFFE0] =	vst v44  }
0x9f: {  	v44 =	vmul.f32 v29, v3;
	v15 =	vmul.f32 v9, v9;
	v5 =	vld [tilespmem:s29+$0x0];
	[tilespmem:s14+$0xFFFFFFE0] =	vst v49  }
0xa0: {  	v18 =	vmul.f32 v11, v11;
	v3 =	vld [tilespmem:s22+$0x10];
	v49 =	vshrl.u32 v28, $0x1;
	v53 =	vmul.f32 $5.000000000e-01, v28;
	[tilespmem:s15+$0xFFFFFFE0] =	vst v17  }
0xa1: {  	v48 =	vadd.f32 v51, v48;
	v17 =	vmul.f32 v8, v8;
	v51 =	vld [tilespmem:s29+$0x10];
	v49 =	vsub.s32 $0x5F3759DF, v49;
	[tilespmem:s16+$0xFFFFFFE0] =	vst v25  }
0xa2: {  	v25 =	vadd.f32 v18, v15;
	v15 =	vmul.f32 v12, v12;
	v54 =	vld [tilespmem:s22+$0x20];
	v18 =	vmul.f32 v49, v53;
	[tilespmem:s31+$0xFFFFFFF0] =	vst v46  }
0xa3: {  	v56 =	vmul.f32 v29, v6;
	v46 =	vmul.f32 v4, v4;
	v55 =	vld [tilespmem:s29+$0x20];
	[tilespmem:s0+$0xFFFFFFF0] =	vst v26  }
0xa4: {  	v26 =	vld [tilespmem:s22+$0xFFFFFFC0];
	v57 =	vadd.f32 v15, v17;
	v17 =	vmul.f32 v5, v5;
	v15 =	vmul.f32 v49, v18;
	[tilespmem:s8+$0xFFFFFFF0] =	vst v27  }
0xa5: {  	v27 =	vld [tilespmem:s30+$0xFFFFFFC0];
	v58 =	vmul.f32 v3, v3;
	[tilespmem:s21+$0xFFFFFFF0] =	vst v41;
	v41 =	vmul.f32 v29, v14  }
0xa6: {  	v18 =	vld [tilespmem:s30+$0xFFFFFFD0];
	v29 =	vadd.f32 v17, v46;
	v14 =	vmul.f32 v51, v51;
	v15 =	vsub.f32 $1.500000000e+00, v15;
	[tilespmem:s14+$0xFFFFFFF0] =	vst v50;
	v6 =	vmovc v51  }
0xa7: {  	v50 =	vmul.f32 v24, v1;
	v17 =	vld [tilespmem:s30+$0xFFFFFFE0];
	v46 =	vmul.f32 v54, v54;
	[tilespmem:s15+$0xFFFFFFF0] =	vst v16;
	v1 =	vmov v54  }
0xa8: {  	v16 =	vld [tilespmem:s30+$0xFFFFFFF0];
	v51 =	vadd.f32 v14, v58;
	v54 =	vmul.f32 v55, v55;
	v49 =	vmul.f32 v49, v15;
	[tilespmem:s16+$0xFFFFFFF0] =	vst v23  }
0xa9: {  	v23 =	vmul.f32 v26, v26;
	v15 =	vld [tilespmem:s30+$0x0];
	[tilespmem:s31+$0x0] =	vst v43;
	v43 =	vmul.f32 v24, v2;
	v2 =	vmov v55  }
0xaa: {  	v55 =	vmul.f32 v27, v27;
	v14 =	vld [tilespmem:s30+$0x10];
	v46 =	vadd.f32 v54, v46;
	v54 =	vmul.f32 v49, v53;
	[tilespmem:s0+$0x0] =	vst v42  }
0xab: {  	v23 =	vadd.f32 v52, v23;
	v42 =	vmul.f32 v18, v18;
	[tilespmem:s8+$0x0] =	vst v40;
	v40 =	vmul.f32 v24, v7;
	v7 =	vld [tilespmem:s30+$0x20]  }
0xac: {  	v24 =	vmul.f32 v17, v17;
	v52 =	vmul.f32 v54, v49;
	[tilespmem:s21+$0x0] =	vst v36  }
0xad: {  	v23 =	vadd.f32 v55, v23;
	v42 =	vadd.f32 v42, v48;
	v36 =	vmul.f32 v16, v16;
	[tilespmem:s14+$0x0] =	vst v47  }
0xae: {  	v25 =	vadd.f32 v24, v25;
	v24 =	vmul.f32 v15, v15;
	v47 =	vsub.f32 $1.500000000e+00, v52;
	[tilespmem:s15+$0x0] =	vst v33  }
0xaf: {  	v48 =	vshrl.u32 v23, $0x1;
	v52 =	vadd.f32 v36, v57;
	v33 =	vmul.f32 v14, v14;
	[tilespmem:s16+$0x0] =	vst v21  }
0xb0: {  	v54 =	vadd.f32 v24, v29;
	v29 =	vmul.f32 v7, v7;
	v47 =	vmul.f32 v47, v49;
	[tilespmem:s31+$0x10] =	vst v35  }
0xb1: {  	v21 =	vmul.f32 $5.000000000e-01, v23;
	v49 =	vshrl.u32 v42, $0x1;
	v51 =	vadd.f32 v33, v51;
	[tilespmem:s0+$0x10] =	vst v34  }
0xb2: {  	v24 =	vmul.f32 $5.000000000e-01, v42;
	v46 =	vadd.f32 v29, v46;
	v34 =	vmul.f32 v47, v53;
	[tilespmem:s8+$0x10] =	vst v45  }
0xb3: {  	v45 =	vshrl.u32 v25, $0x1;
	v29 =	vmul.f32 $5.000000000e-01, v25;
	v53 =	vshrl.u32 v52, $0x1;
	[tilespmem:s21+$0x10] =	vst v44  }
0xb4: {  	v33 =	vmul.f32 $5.000000000e-01, v52;
	v44 =	vshrl.u32 v54, $0x1;
	v55 =	vmul.f32 v34, v47;
	[tilespmem:s14+$0x10] =	vst v56  }
0xb5: {  	v35 =	vmul.f32 $5.000000000e-01, v54;
	v56 =	vshrl.u32 v51, $0x1;
	v34 =	vmul.f32 $5.000000000e-01, v51;
	[tilespmem:s15+$0x10] =	vst v41  }
0xb6: {  	v36 =	vmul.f32 $5.000000000e-01, v46;
	v41 =	vshrl.u32 v46, $0x1;
	v55 =	vsub.f32 $1.500000000e+00, v55;
	[tilespmem:s16+$0x10] =	vst v20  }
0xb7: {  	v45 =	vsub.s32 $0x5F3759DF, v45;
	v20 =	vsub.s32 $0x5F3759DF, v48;
	v48 =	vsub.s32 $0x5F3759DF, v49;
	[tilespmem:s31+$0x20] =	vst v38  }
0xb8: {  	v44 =	vsub.s32 $0x5F3759DF, v44;
	v38 =	vsub.s32 $0x5F3759DF, v53;
	v47 =	vmul.f32 v55, v47;
	[tilespmem:s0+$0x20] =	vst v39  }
0xb9: {  	v49 =	vsub.s32 $0x5F3759DF, v56;
	v41 =	vsub.s32 $0x5F3759DF, v41;
	v39 =	vmul.f32 v20, v21;
	[tilespmem:s8+$0x20] =	vst v37  }
0xba: {  	v53 =	vmul.f32 v45, v29;
	v37 =	vmul.f32 v48, v24;
	v55 =	vadd.f32 v47, v47;
	[tilespmem:s21+$0x20] =	vst v50  }
0xbb: {  	vm0 =	vgt.f32 v23, $1.000000000e+00;
	v23 =	vmul.f32 v38, v33;
	v50 =	vmul.f32 v44, v35;
	[tilespmem:s14+$0x20] =	vst v43  }
0xbc: {  	v56 =	vmul.f32 v41, v36;
	v43 =	vmul.f32 v49, v34;
	v55 =	vadd.f32 $-1.000000000e+00, v55;
	[tilespmem:s15+$0x20] =	vst v40  }
0xbd: {  	vm1 =	vgt.f32 v42, $1.000000000e+00;
	v39 =	vmul.f32 v20, v39;
	v37 =	vmul.f32 v48, v37;
	[tilespmem:s16+$0x20] =	vst v19  }
0xbe: {  	v23 =	vmul.f32 v38, v23;
	v19 =	vmul.f32 v45, v53;
	v40 =	vmin.f32 v55, $1.000000000e+00  }
0xbf: {  	v39 =	vsub.f32 $1.500000000e+00, v39;
	v42 =	vmul.f32 v44, v50;
	v50 =	vmul.f32 v40, v30  }
0xc0: {  	s31 =	sadd.s32 $0x80, s31;
	v37 =	vsub.f32 $1.500000000e+00, v37;
	v43 =	vmul.f32 v49, v43;
	v53 =	vmul.f32 v40, v31  }
0xc1: {  	s0 =	sadd.s32 $0x80, s0;
	v55 =	vmul.f32 v41, v56;
	v19 =	vsub.f32 $1.500000000e+00, v19;
	v40 =	vmul.f32 v40, v32;
	[tilespmem:s31+$0x30] =	vst v50  }
0xc2: {  	s8 =	sadd.s32 $0x80, s8;
	v23 =	vsub.f32 $1.500000000e+00, v23;
	v42 =	vsub.f32 $1.500000000e+00, v42;
	v30 =	vmul.f32 v47, v30;
	[tilespmem:s0+$0x30] =	vst v53  }
0xc3: {  	s21 =	sadd.s32 $0x80, s21;
	v43 =	vsub.f32 $1.500000000e+00, v43;
	v31 =	vmul.f32 v47, v31;
	v50 =	vsub.f32 $1.500000000e+00, v55;
	[tilespmem:s8+$0x30] =	vst v40  }
0xc4: {  	vm2 =	vgt.f32 v25, $1.000000000e+00;
	v25 =	vmul.f32 v47, v32;
	s14 =	sadd.s32 $0x80, s14;
	v20 =	vmul.f32 v20, v39;
	[tilespmem:s21+$0x30] =	vst v30  }
0xc5: {  	vm3 =	vgt.f32 v28, $1.000000000e+00;
	s15 =	sadd.s32 $0x80, s15;
	v32 =	vmul.f32 v48, v37;
	v19 =	vmul.f32 v45, v19;
	[tilespmem:s14+$0x30] =	vst v31  }
0xc6: {  	s16 =	sadd.s32 $0x80, s16;
	v23 =	vmul.f32 v38, v23;
	v31 =	vmul.f32 v44, v42;
	[tilespmem:s15+$0x30] =	vst v25;
	v25 =	vsel vm3, $0x1, v0  }
0xc7: {  	v37 =	vmul.f32 v49, v43;
	v38 =	vmul.f32 v41, v50;
	vm3 =	vgt.f32 v52, $1.000000000e+00;
	[tilespmem:s16+$0x30] =	vst v25  }
0xc8: {  	vm4 =	vgt.f32 v54, $1.000000000e+00;
	v28 =	vmul.f32 v32, v24;
	v25 =	vmul.f32 v20, v21  }
0xc9: {  	vm5 =	vgt.f32 v51, $1.000000000e+00;
	v39 =	vmul.f32 v19, v29;
	v40 =	vmul.f32 v23, v33  }
0xca: {  	vm6 =	vgt.f32 v46, $1.000000000e+00;
	v42 =	vmul.f32 v37, v34;
	v41 =	vmul.f32 v31, v35  }
0xcb: {  	v30 =	vsel vm0, $0x1, v0;
	v43 =	vmul.f32 v38, v36;
	v25 =	vmul.f32 v25, v20  }
0xcc: {  	v44 =	vmul.f32 v28, v32;
	v28 =	vsel vm1, $0x1, v0;
	v39 =	vmul.f32 v39, v19  }
0xcd: {  	v40 =	vmul.f32 v40, v23;
	v41 =	vmul.f32 v41, v31;
	v25 =	vsub.f32 $1.500000000e+00, v25  }
0xce: {  	v44 =	vsub.f32 $1.500000000e+00, v44;
	v42 =	vmul.f32 v42, v37;
	v43 =	vmul.f32 v43, v38  }
0xcf: {  	v45 =	vmul.f32 v25, v20;
	v20 =	vsub.f32 $1.500000000e+00, v39;
	v25 =	vsub.f32 $1.500000000e+00, v40  }
0xd0: {  	v32 =	vmul.f32 v44, v32;
	v39 =	vsub.f32 $1.500000000e+00, v41;
	v40 =	vsub.f32 $1.500000000e+00, v42  }
0xd1: {  	v41 =	vmul.f32 v20, v19;
	v42 =	vmul.f32 v25, v23;
	v19 =	vsub.f32 $1.500000000e+00, v43  }
0xd2: {  	v25 =	vsel vm2, $0x1, v0;
	v31 =	vmul.f32 v39, v31;
	v37 =	vmul.f32 v40, v37  }
0xd3: {  	v39 =	vmul.f32 v45, v21;
	v23 =	vsel vm3, $0x1, v0;
	v38 =	vmul.f32 v19, v38  }
0xd4: {  	v24 =	vmul.f32 v32, v24;
	v21 =	vsel vm4, $0x1, v0;
	v29 =	vmul.f32 v41, v29  }
0xd5: {  	v20 =	vsel vm5, $0x1, v0;
	v33 =	vmul.f32 v42, v33;
	v35 =	vmul.f32 v31, v35  }
0xd6: {  	v34 =	vmul.f32 v37, v34;
	v19 =	vsel vm6, $0x1, v0;
	v36 =	vmul.f32 v38, v36  }
0xd7: {  	v24 =	vmul.f32 v24, v32;
	v39 =	vmul.f32 v39, v45  }
0xd8: {  	v29 =	vmul.f32 v29, v41;
	v33 =	vmul.f32 v33, v42  }
0xd9: {  	v39 =	vsub.f32 $1.500000000e+00, v39;
	v35 =	vmul.f32 v35, v31;
	v34 =	vmul.f32 v34, v37  }
0xda: {  	v24 =	vsub.f32 $1.500000000e+00, v24;
	v29 =	vsub.f32 $1.500000000e+00, v29;
	v36 =	vmul.f32 v36, v38  }
0xdb: {  	v39 =	vmul.f32 v39, v45;
	v33 =	vsub.f32 $1.500000000e+00, v33;
	v35 =	vsub.f32 $1.500000000e+00, v35  }
0xdc: {  	v44 =	vmul.f32 v24, v32;
	v24 =	vsub.f32 $1.500000000e+00, v34;
	v32 =	vsub.f32 $1.500000000e+00, v36  }
0xdd: {  	v34 =	vadd.f32 v39, v39;
	v41 =	vmul.f32 v29, v41;
	v36 =	vmul.f32 v33, v42  }
0xde: {  	v40 =	vadd.f32 v44, v44;
	v33 =	vmul.f32 v35, v31;
	v29 =	vmul.f32 v24, v37  }
0xdf: {  	v31 =	vadd.f32 v41, v41;
	v35 =	vadd.f32 v36, v36;
	v24 =	vmul.f32 v32, v38  }
0xe0: {  	v38 =	vmul.f32 v39, v26;
	v32 =	vadd.f32 v33, v33;
	v37 =	vadd.f32 v29, v29  }
0xe1: {  	v42 =	vmul.f32 v39, v22;
	v34 =	vadd.f32 $-1.000000000e+00, v34;
	v43 =	vadd.f32 v24, v24  }
0xe2: {  	v40 =	vadd.f32 $-1.000000000e+00, v40;
	v39 =	vmul.f32 v39, v27;
	v31 =	vadd.f32 $-1.000000000e+00, v31  }
0xe3: {  	v34 =	vmin.f32 v34, $1.000000000e+00;
	v35 =	vadd.f32 $-1.000000000e+00, v35;
	v32 =	vadd.f32 $-1.000000000e+00, v32  }
0xe4: {  	v40 =	vmin.f32 v40, $1.000000000e+00;
	v37 =	vadd.f32 $-1.000000000e+00, v37;
	v43 =	vadd.f32 $-1.000000000e+00, v43  }
0xe5: {  	v45 =	vmin.f32 v31, $1.000000000e+00;
	v35 =	vmin.f32 v35, $1.000000000e+00;
	v51 =	vmin.f32 v32, $1.000000000e+00  }
0xe6: {  	v26 =	vmul.f32 v34, v26;
	v31 =	vmin.f32 v37, $1.000000000e+00;
	v32 =	vmin.f32 v43, $1.000000000e+00  }
0xe7: {  	v27 =	vmul.f32 v34, v27;
	v43 =	vmul.f32 v34, v22  }
0xe8: {  	v37 =	vmul.f32 v40, v10;
	v22 =	vmul.f32 v40, v13;
	[tilespmem:s31+$0xFFFFFFC0] =	vst v26  }
0xe9: {  	v50 =	vmul.f32 v40, v18;
	v49 =	vmul.f32 v45, v9;
	[tilespmem:s0+$0xFFFFFFC0] =	vst v43  }
.Ltmp0:
0xea: {  	v48 =	vmul.f32 v45, v11;
	v47 =	vmul.f32 v45, v17;
	[tilespmem:s8+$0xFFFFFFC0] =	vst v27;
	(pc) =	sbr.rel @p1 .LBB2_3-.Ltmp0, $4  }
0xeb: {  	v46 =	vmul.f32 v35, v8;
	v26 =	vmul.f32 v35, v12;
	[tilespmem:s21+$0xFFFFFFC0] =	vst v38  }
0xec: {  	v43 =	vmul.f32 v51, v4;
	v27 =	vmul.f32 v35, v16;
	[tilespmem:s14+$0xFFFFFFC0] =	vst v42  }
0xed: {  	v40 =	vmul.f32 v51, v15;
	v42 =	vmul.f32 v51, v5;
	[tilespmem:s15+$0xFFFFFFC0] =	vst v39  }
0xee: {  	s22 =	sadd.s32 $0x80, s22;
	v34 =	vmul.f32 v31, v6;
	v35 =	vmul.f32 v31, v3;
	[tilespmem:s16+$0xFFFFFFC0] =	vst v30  }
0xef: {  	[tilespmem:s31+$0xFFFFFFD0] =	vst v37  }
0xf0: {  	[tilespmem:s31+$0xFFFFFFE0] =	vst v49  }
0xf1: {  	[tilespmem:s31+$0xFFFFFFF0] =	vst v46  }
0xf2: {  	[tilespmem:s31+$0x0] =	vst v43  }
0xf3: {  	[tilespmem:s0+$0xFFFFFFD0] =	vst v22  }
0xf4: {  	[tilespmem:s0+$0xFFFFFFE0] =	vst v48  }
0xf5: {  	[tilespmem:s0+$0xFFFFFFF0] =	vst v26  }
0xf6: {  	[tilespmem:s0+$0x0] =	vst v42  }
0xf7: {  	[tilespmem:s31+$0x10] =	vst v35  }
0xf8: {  	[tilespmem:s8+$0xFFFFFFD0] =	vst v50  }
0xf9: {  	[tilespmem:s8+$0xFFFFFFE0] =	vst v47  }
0xfa: {  	[tilespmem:s8+$0xFFFFFFF0] =	vst v27  }
0xfb: {  	v10 =	vmul.f32 v44, v10;
	[tilespmem:s8+$0x0] =	vst v40  }
0xfc: {  	v9 =	vmul.f32 v41, v9;
	[tilespmem:s0+$0x10] =	vst v34  }
0xfd: {  	v8 =	vmul.f32 v36, v8;
	[tilespmem:s21+$0xFFFFFFD0] =	vst v10  }
0xfe: {  	v4 =	vmul.f32 v33, v4;
	[tilespmem:s21+$0xFFFFFFE0] =	vst v9  }
0xff: {  	v13 =	vmul.f32 v44, v13;
	[tilespmem:s21+$0xFFFFFFF0] =	vst v8  }
0x100: {  	v5 =	vmul.f32 v33, v5;
	[tilespmem:s21+$0x0] =	vst v4  }
0x101: {  	v18 =	vmul.f32 v44, v18;
	[tilespmem:s14+$0xFFFFFFD0] =	vst v13  }
0x102: {  	v10 =	vmul.f32 v41, v11;
	[tilespmem:s14+$0x0] =	vst v5  }
0x103: {  	v9 =	vmul.f32 v36, v12;
	[tilespmem:s15+$0xFFFFFFD0] =	vst v18  }
0x104: {  	v8 =	vmul.f32 v33, v15;
	[tilespmem:s14+$0xFFFFFFE0] =	vst v10  }
0x105: {  	v4 =	vmul.f32 v31, v14;
	[tilespmem:s14+$0xFFFFFFF0] =	vst v9  }
0x106: {  	[tilespmem:s15+$0x0] =	vst v8  }
0x107: {  	v11 =	vmul.f32 v41, v17;
	[tilespmem:s8+$0x10] =	vst v4  }
0x108: {  	[tilespmem:s16+$0xFFFFFFD0] =	vst v28  }
0x109: {  	v3 =	vmul.f32 v29, v3;
	[tilespmem:s15+$0xFFFFFFE0] =	vst v11  }
0x10a: {  	[tilespmem:s16+$0x0] =	vst v21  }
0x10b: {  	v10 =	vmul.f32 v36, v16;
	[tilespmem:s21+$0x10] =	vst v3  }
0x10c: {  	v5 =	vmul.f32 v29, v6;
	[tilespmem:s16+$0xFFFFFFE0] =	vst v25  }
0x10d: {  	[tilespmem:s15+$0xFFFFFFF0] =	vst v10  }
0x10e: {  	v4 =	vmul.f32 v29, v14;
	[tilespmem:s14+$0x10] =	vst v5  }
0x10f: {  	v3 =	vmul.f32 v32, v1;
	[tilespmem:s16+$0xFFFFFFF0] =	vst v23  }
0x110: {  	[tilespmem:s15+$0x10] =	vst v4  }
0x111: {  	v4 =	vmul.f32 v32, v2;
	[tilespmem:s31+$0x20] =	vst v3  }
0x112: {  	v5 =	vmul.f32 v32, v7;
	[tilespmem:s16+$0x10] =	vst v20  }
0x113: {  	v1 =	vmul.f32 v24, v1;
	[tilespmem:s0+$0x20] =	vst v4  }
0x114: {  	v2 =	vmul.f32 v24, v2;
	[tilespmem:s8+$0x20] =	vst v5  }
0x115: {  	v3 =	vmul.f32 v24, v7;
	[tilespmem:s21+$0x20] =	vst v1  }
0x116: {  	[tilespmem:s14+$0x20] =	vst v2  }
0x117: {  	s0 =	sor.u32 s13, s28;
	[tilespmem:s15+$0x20] =	vst v3  }
0x118: {  	s31 =	simm.s32 $0x3000;
	s22 =	sadd.s32 s5, s0;
	[tilespmem:s16+$0x20] =	vst v19  }
0x119: {  	[hbm4b:s22+s3] =	stream.linear.scatter [tilespmem:s31], [sflag:$0x3], $0x1000, $0x38;
	[tilespmem:$0x14000] =	vst v63  }
0x11a: {  	s15 =	sadd.s32 s6, s0;
	s16 =	simm.s32 $0x4000  }
0x11b: {  	[hbm4b:s15+s3] =	stream.linear.scatter [tilespmem:s16], [sflag:$0x3], $0x1000, $0x38;
	[tilespmem:$0x14000] =	vst v63  }
0x11c: {  	s19 =	sadd.s32 s7, s0;
	s21 =	simm.s32 $0x5000  }
0x11d: {  	[hbm4b:s19+s3] =	stream.linear.scatter [tilespmem:s21], [sflag:$0x3], $0x1000, $0x38;
	[tilespmem:$0x14000] =	vst v63  }
0x11e: {  	s22 =	sadd.s32 s9, s0;
	s31 =	simm.s32 $0x6000  }
0x11f: {  	[hbm4b:s22+s3] =	stream.linear.scatter [tilespmem:s31], [sflag:$0x3], $0x1000, $0x38;
	[tilespmem:$0x14000] =	vst v63  }
0x120: {  	s15 =	sadd.s32 s10, s0;
	s16 =	simm.s32 $0x7000  }
0x121: {  	[hbm4b:s15+s3] =	stream.linear.scatter [tilespmem:s16], [sflag:$0x3], $0x1000, $0x38;
	[tilespmem:$0x14000] =	vst v63  }
0x122: {  	s19 =	sadd.s32 s11, s0;
	s21 =	simm.s32 $0x8000  }
0x123: {  	[hbm4b:s19+s3] =	stream.linear.scatter [tilespmem:s21], [sflag:$0x3], $0x1000, $0x38;
	[tilespmem:$0x14000] =	vst v63  }
0x124: {  	p1 =	seq.s32 s24, $0x7;
	s0 =	sadd.s32 s12, s0;
	s22 =	simm.s32 $0x9000  }
0x125: {  	[hbm4b:s0+s3] =	stream.linear.scatter [tilespmem:s22], [sflag:$0x3], $0x1000, $0x38;
	[tilespmem:$0x14000] =	vst v63  }
0x126: {  	s0 =	sadd.s32 @!p1 s28, s18  }
0x127: {  	s14 =	simm.s32 @!p1 $0x0;
	s8 =	sadd.s32 @!p1 s4, s0  }
0x128: {  	[tilespmem:s14], [sflag:$0x1] =	stream.linear.gather @!p1 [hbm4b:s8+s14], $0x1000, $0x38;
	[tilespmem:$0x14000] =	vst v63  }
0x129: {  	s15 =	simm.s32 @!p1 $0x1000;
	s8 =	sadd.s32 @!p1 s1, s0  }
0x12a: {  	[tilespmem:s15], [sflag:$0x1] =	stream.linear.gather @!p1 [hbm4b:s8+s14], $0x1000, $0x38;
	[tilespmem:$0x14000] =	vst v63  }
0x12b: {  	s0 =	sadd.s32 @!p1 s2, s0;
	s8 =	simm.s32 @!p1 $0x2000  }
0x12c: {  	[tilespmem:s8], [sflag:$0x1] =	stream.linear.gather @!p1 [hbm4b:s0+s14], $0x1000, $0x38;
	[tilespmem:$0x14000] =	vst v63  }
0x12d: {  	_ =	swait.ge [sflag:s20], $0x1000  }
0x12e: {  	[sflag:s20] =	ssyncset.done $0x0  }
0x12f: {  	[sflag:s20] =	ssyncadd.s32 $0xFFFFF000  }
0x130: {  	_ =	swait.ge [sflag:s20], $0x1000  }
0x131: {  	[sflag:s20] =	ssyncset.done $0x0  }
0x132: {  	[sflag:s20] =	ssyncadd.s32 $0xFFFFF000  }
0x133: {  	_ =	swait.ge [sflag:s20], $0x1000  }
0x134: {  	[sflag:s20] =	ssyncset.done $0x0  }
0x135: {  	s0 =	simm.s32 @!p0 $0x4;
	[sflag:s20] =	ssyncadd.s32 $0xFFFFF000  }
0x136: {  	_ =	swait.ge @!p0 [sflag:s0], $0x1000  }
0x137: {  	[sflag:s0] =	ssyncset.done @!p0 $0x0  }
0x138: {  	[sflag:s0] =	ssyncadd.s32 @!p0 $0xFFFFF000  }
0x139: {  	_ =	swait.ge @!p0 [sflag:s0], $0x1000  }
0x13a: {  	[sflag:s0] =	ssyncset.done @!p0 $0x0  }
0x13b: {  	[sflag:s0] =	ssyncadd.s32 @!p0 $0xFFFFF000  }
0x13c: {  	_ =	swait.ge @!p0 [sflag:s0], $0x1000  }
0x13d: {  	[sflag:s0] =	ssyncset.done @!p0 $0x0  }
0x13e: {  	[sflag:s0] =	ssyncadd.s32 @!p0 $0xFFFFF000  }
0x13f: {  	_ =	swait.ge @!p0 [sflag:s0], $0x1000  }
0x140: {  	[sflag:s0] =	ssyncset.done @!p0 $0x0  }
0x141: {  	[sflag:s0] =	ssyncadd.s32 @!p0 $0xFFFFF000  }
0x142: {  	_ =	swait.ge @!p0 [sflag:s0], $0x1000  }
0x143: {  	[sflag:s0] =	ssyncset.done @!p0 $0x0  }
0x144: {  	[sflag:s0] =	ssyncadd.s32 @!p0 $0xFFFFF000  }
0x145: {  	_ =	swait.ge @!p0 [sflag:s0], $0x1000  }
0x146: {  	[sflag:s0] =	ssyncset.done @!p0 $0x0  }
0x147: {  	[sflag:s0] =	ssyncadd.s32 @!p0 $0xFFFFF000  }
0x148: {  	_ =	swait.ge @!p0 [sflag:s0], $0x1000  }
0x149: {  	[sflag:s0] =	ssyncset.done @!p0 $0x0  }
0x14a: {  	s31 =	simm.s32 $0xA040;
	[sflag:s0] =	ssyncadd.s32 @!p0 $0xFFFFF000  }
0x14b: {  	s28 =	simm.s32 $0xB040;
	v21 =	vld [tilespmem:s31+$0x30]  }
0x14c: {  	v19 =	vld [tilespmem:s28+$0x30]  }
0x14d: {  	s29 =	simm.s32 $0xC040;
	v22 =	vld [tilespmem:s28+$0xFFFFFFC0]  }
0x14e: {  	v20 =	vld [tilespmem:s29+$0x30]  }
0x14f: {  	v10 =	vld [tilespmem:s31+$0xFFFFFFD0]  }
0x150: {  	v13 =	vld [tilespmem:s28+$0xFFFFFFD0]  }
0x151: {  	v9 =	vld [tilespmem:s31+$0xFFFFFFE0]  }
0x152: {  	v11 =	vld [tilespmem:s28+$0xFFFFFFE0]  }
0x153: {  	v8 =	vld [tilespmem:s31+$0xFFFFFFF0]  }
0x154: {  	v4 =	vld [tilespmem:s31+$0x0]  }
0x155: {  	v5 =	vld [tilespmem:s28+$0x0]  }
0x156: {  	v3 =	vld [tilespmem:s31+$0x10];
	v1 =	vmul.f32 v21, v21;
	v2 =	vmul.f32 v19, v19  }
0x157: {  	v6 =	vld [tilespmem:s28+$0x10];
	v17 =	vmul.f32 v9, v9;
	v18 =	vmul.f32 v11, v11  }
0x158: {  	v27 =	vld [tilespmem:s29+$0xFFFFFFC0];
	v1 =	vadd.f32 v2, v1;
	v2 =	vmul.f32 v20, v20  }
0x159: {  	v7 =	vmul.f32 v10, v10;
	v29 =	vadd.f32 v18, v17;
	v18 =	vld [tilespmem:s29+$0xFFFFFFD0]  }
0x15a: {  	v15 =	vmul.f32 v13, v13;
	v25 =	vmul.f32 v22, v22;
	v17 =	vld [tilespmem:s29+$0xFFFFFFE0];
	v23 =	vadd.f32 v2, v1  }
0x15b: {  	v30 =	vmul.f32 v4, v4;
	v31 =	vmul.f32 v5, v5  }
0x15c: {  	v12 =	vld [tilespmem:s28+$0xFFFFFFF0];
	v44 =	vmul.f32 v3, v3;
	v1 =	vshrl.u32 v23, $0x1;
	v24 =	vmul.f32 $5.000000000e-01, v23  }
0x15d: {  	v45 =	vmul.f32 v6, v6;
	v48 =	vmul.f32 v27, v27;
	v2 =	vld [tilespmem:s28+$0x20];
	v14 =	vsub.s32 $0x5F3759DF, v1  }
0x15e: {  	v28 =	vadd.f32 v15, v7;
	v50 =	vmul.f32 v18, v18;
	v16 =	vmul.f32 v14, v24  }
0x15f: {  	v26 =	vld [tilespmem:s31+$0xFFFFFFC0];
	v15 =	vmul.f32 v8, v8;
	v30 =	vadd.f32 v31, v30;
	v38 =	vmul.f32 v17, v17  }
0x160: {  	v33 =	vadd.f32 v45, v44;
	v1 =	vld [tilespmem:s31+$0x20];
	v28 =	vadd.f32 v50, v28;
	v7 =	vmul.f32 v14, v16  }
0x161: {  	vm3 =	vgt.f32 v23, $1.000000000e+00;
	v29 =	vadd.f32 v38, v29;
	v16 =	vmul.f32 v12, v12  }
0x162: {  	v47 =	vmul.f32 v2, v2;
	v39 =	vshrl.u32 v28, $0x1;
	v7 =	vsub.f32 $1.500000000e+00, v7  }
0x163: {  	v36 =	vmul.f32 $5.000000000e-01, v28;
	v56 =	vshrl.u32 v29, $0x1;
	v43 =	vadd.f32 v16, v15;
	v16 =	vld [tilespmem:s29+$0xFFFFFFF0]  }
0x164: {  	v40 =	vmul.f32 $5.000000000e-01, v29;
	vm0 =	vgt.f32 v28, $1.000000000e+00;
	v15 =	vld [tilespmem:s29+$0x0];
	v31 =	vmul.f32 v14, v7  }
0x165: {  	vm2 =	vgt.f32 v29, $1.000000000e+00;
	v46 =	vmul.f32 v1, v1;
	v7 =	vmul.f32 v26, v26;
	v14 =	vld [tilespmem:s29+$0x10]  }
0x166: {  	v39 =	vsub.s32 $0x5F3759DF, v39;
	v35 =	vsub.s32 $0x5F3759DF, v56;
	v49 =	vmul.f32 v31, v24  }
0x167: {  	v60 =	vmul.f32 v39, v36;
	v61 =	vmul.f32 v35, v40;
	v25 =	vadd.f32 v25, v7;
	v7 =	vld [tilespmem:s29+$0x20]  }
0x168: {  	v34 =	vadd.f32 v47, v46;
	v51 =	vmul.f32 v16, v16;
	v37 =	vmul.f32 v49, v31  }
0x169: {  	v28 =	vmul.f32 v35, v61;
	v52 =	vmul.f32 v15, v15;
	v25 =	vadd.f32 v48, v25  }
0x16a: {  	v32 =	vadd.f32 v51, v43;
	v54 =	vmul.f32 v14, v14;
	v37 =	vsub.f32 $1.500000000e+00, v37  }
0x16b: {  	v30 =	vadd.f32 v52, v30;
	v53 =	vshrl.u32 v25, $0x1;
	vm1 =	vgt.f32 v25, $1.000000000e+00  }
0x16c: {  	v55 =	vmul.f32 v7, v7;
	v33 =	vadd.f32 v54, v33;
	v31 =	vmul.f32 v37, v31  }
0x16d: {  	v57 =	vshrl.u32 v32, $0x1;
	v42 =	vmul.f32 $5.000000000e-01, v32;
	v58 =	vshrl.u32 v30, $0x1  }
0x16e: {  	v44 =	vmul.f32 $5.000000000e-01, v30;
	v38 =	vsub.s32 $0x5F3759DF, v53;
	v24 =	vmul.f32 v31, v24  }
0x16f: {  	v37 =	vmul.f32 $5.000000000e-01, v25;
	v41 =	vsub.s32 $0x5F3759DF, v57;
	v43 =	vsub.s32 $0x5F3759DF, v58  }
0x170: {  	v34 =	vadd.f32 v55, v34;
	v46 =	vmul.f32 $5.000000000e-01, v33;
	v24 =	vmul.f32 v24, v31  }
0x171: {  	v45 =	vshrl.u32 v33, $0x1;
	v52 =	vmul.f32 v41, v42;
	v53 =	vmul.f32 v43, v44  }
0x172: {  	v45 =	vsub.s32 $0x5F3759DF, v45;
	v48 =	vmul.f32 $5.000000000e-01, v34;
	v24 =	vsub.f32 $1.500000000e+00, v24  }
0x173: {  	v59 =	vshrl.u32 v34, $0x1;
	v25 =	vmul.f32 v45, v46;
	v63 =	vmul.f32 v43, v53  }
0x174: {  	v62 =	vmul.f32 v41, v52;
	v47 =	vsub.s32 $0x5F3759DF, v59;
	v24 =	vmul.f32 v24, v31  }
0x175: {  	v49 =	vmul.f32 v39, v60;
	v54 =	vmul.f32 v47, v48;
	v52 =	vsub.f32 $1.500000000e+00, v63  }
0x176: {  	v25 =	vmul.f32 v45, v25;
	v50 =	vsub.f32 $1.500000000e+00, v62;
	v51 =	vadd.f32 v24, v24  }
0x177: {  	v28 =	vsub.f32 $1.500000000e+00, v28;
	v29 =	vmul.f32 v43, v52;
	v31 =	vmul.f32 v38, v37  }
0x178: {  	v54 =	vmul.f32 v47, v54;
	v23 =	vmul.f32 v41, v50;
	v51 =	vadd.f32 $-1.000000000e+00, v51  }
0x179: {  	vm6 =	vgt.f32 v33, $1.000000000e+00;
	v58 =	vmul.f32 v29, v44;
	v31 =	vmul.f32 v38, v31  }
0x17a: {  	v56 =	vmul.f32 v24, v21;
	v57 =	vmul.f32 v24, v19;
	v51 =	vmin.f32 v51, $1.000000000e+00  }
0x17b: {  	v33 =	vmul.f32 v58, v29;
	v31 =	vsub.f32 $1.500000000e+00, v31;
	v53 =	vmul.f32 v51, v21  }
0x17c: {  	v49 =	vsub.f32 $1.500000000e+00, v49;
	v55 =	vmul.f32 v51, v19;
	v51 =	vmul.f32 v51, v20  }
0x17d: {  	v21 =	vsub.f32 $1.500000000e+00, v25;
	v25 =	vmul.f32 v38, v31;
	v31 =	vmul.f32 v24, v20  }
0x17e: {  	v19 =	vsub.f32 $1.500000000e+00, v54;
	v20 =	vmul.f32 v39, v49;
	v24 =	vmul.f32 v35, v28  }
0x17f: {  	vm4 =	vgt.f32 v32, $1.000000000e+00;
	v54 =	vmul.f32 v23, v42;
	v21 =	vmul.f32 v45, v21  }
0x180: {  	vm5 =	vgt.f32 v30, $1.000000000e+00;
	v19 =	vmul.f32 v47, v19;
	v28 =	vmul.f32 v25, v37  }
0x181: {  	vm15 =	vgt.f32 v34, $1.000000000e+00;
	v52 =	vmul.f32 v20, v36;
	v30 =	vmul.f32 v24, v40  }
0x182: {  	v35 =	vsel vm3, $0x1, v0;
	v59 =	vmul.f32 v21, v46;
	v28 =	vmul.f32 v28, v25  }
0x183: {  	v45 =	vsel vm1, $0x1, v0;
	v60 =	vmul.f32 v19, v48;
	v32 =	vmul.f32 v52, v20  }
0x184: {  	v38 =	vmul.f32 v54, v23;
	v30 =	vmul.f32 v30, v24;
	v28 =	vsub.f32 $1.500000000e+00, v28  }
0x185: {  	v32 =	vsub.f32 $1.500000000e+00, v32;
	v39 =	vmul.f32 v59, v21;
	v34 =	vmul.f32 v60, v19  }
0x186: {  	v61 =	vmul.f32 v28, v25;
	v25 =	vsub.f32 $1.500000000e+00, v30;
	v28 =	vsub.f32 $1.500000000e+00, v38  }
0x187: {  	v30 =	vmul.f32 v32, v20;
	v20 =	vsub.f32 $1.500000000e+00, v33;
	v62 =	vsub.f32 $1.500000000e+00, v39  }
0x188: {  	v24 =	vmul.f32 v25, v24;
	v63 =	vmul.f32 v28, v23;
	v23 =	vsub.f32 $1.500000000e+00, v34  }
0x189: {  	v28 =	vsel vm0, $0x1, v0;
	v29 =	vmul.f32 v20, v29;
	v32 =	vmul.f32 v62, v21  }
0x18a: {  	v25 =	vsel vm2, $0x1, v0;
	v49 =	vmul.f32 v61, v37;
	v36 =	vmul.f32 v30, v36  }
0x18b: {  	v21 =	vsel vm5, $0x1, v0;
	v50 =	vmul.f32 v23, v19;
	v52 =	vmul.f32 v24, v40  }
0x18c: {  	v20 =	vsel vm6, $0x1, v0;
	v54 =	vmul.f32 v63, v42;
	v58 =	vmul.f32 v29, v44  }
0x18d: {  	v23 =	vsel vm4, $0x1, v0;
	v59 =	vmul.f32 v32, v46;
	v34 =	vmul.f32 v49, v61  }
0x18e: {  	v19 =	vsel vm15, $0x1, v0;
	v36 =	vmul.f32 v36, v30;
	v60 =	vmul.f32 v50, v48  }
0x18f: {  	v38 =	vmul.f32 v52, v24;
	v39 =	vmul.f32 v54, v63;
	v34 =	vsub.f32 $1.500000000e+00, v34  }
0x190: {  	v40 =	vmul.f32 v58, v29;
	v42 =	vmul.f32 v59, v32;
	v36 =	vsub.f32 $1.500000000e+00, v36  }
0x191: {  	v38 =	vsub.f32 $1.500000000e+00, v38;
	v43 =	vmul.f32 v60, v50;
	v34 =	vmul.f32 v34, v61  }
0x192: {  	s30 =	simm.s32 $0xD040;
	v39 =	vsub.f32 $1.500000000e+00, v39;
	v40 =	vsub.f32 $1.500000000e+00, v40;
	v44 =	vmul.f32 v36, v30  }
0x193: {  	s0 =	simm.s32 $0xE040;
	[tilespmem:s30+$0x30] =	vst v53;
	v30 =	vsub.f32 $1.500000000e+00, v42;
	v61 =	vsub.f32 $1.500000000e+00, v43;
	v41 =	vmul.f32 v38, v24  }
0x194: {  	s8 =	simm.s32 $0xF040;
	[tilespmem:s0+$0x30] =	vst v55;
	v62 =	vadd.f32 v34, v34;
	v36 =	vmul.f32 v39, v63;
	v33 =	vmul.f32 v40, v29  }
0x195: {  	s21 =	simm.s32 $0x10040;
	[tilespmem:s8+$0x30] =	vst v51;
	v63 =	vadd.f32 v44, v44;
	v29 =	vmul.f32 v30, v32;
	v54 =	vmul.f32 v34, v26  }
0x196: {  	[tilespmem:s21+$0x30] =	vst v56;
	v56 =	vmul.f32 v34, v22;
	v30 =	vadd.f32 v41, v41;
	v46 =	vadd.f32 v36, v36  }
0x197: {  	v24 =	vmul.f32 v61, v50;
	v47 =	vadd.f32 v33, v33;
	v38 =	vadd.f32 $-1.000000000e+00, v62  }
0x198: {  	s14 =	simm.s32 $0x11040;
	v34 =	vmul.f32 v34, v27;
	v55 =	vadd.f32 v29, v29;
	v39 =	vadd.f32 $-1.000000000e+00, v63  }
0x199: {  	s15 =	simm.s32 $0x12040;
	[tilespmem:s14+$0x30] =	vst v57;
	v58 =	vadd.f32 v24, v24;
	v30 =	vadd.f32 $-1.000000000e+00, v30;
	v38 =	vmin.f32 v38, $1.000000000e+00  }
0x19a: {  	s16 =	simm.s32 $0x13040;
	[tilespmem:s15+$0x30] =	vst v31;
	v31 =	vadd.f32 $-1.000000000e+00, v46;
	v59 =	vadd.f32 $-1.000000000e+00, v47;
	v26 =	vmul.f32 v38, v26  }
0x19b: {  	[tilespmem:s16+$0x30] =	vst v35;
	v60 =	vmin.f32 v39, $1.000000000e+00;
	v61 =	vmul.f32 v38, v22;
	v27 =	vmul.f32 v38, v27  }
0x19c: {  	v37 =	vmul.f32 v60, v10;
	v22 =	vmul.f32 v60, v13;
	v30 =	vmin.f32 v30, $1.000000000e+00;
	[tilespmem:s30+$0xFFFFFFC0] =	vst v26  }
0x19d: {  	v62 =	vadd.f32 $-1.000000000e+00, v55;
	v50 =	vmul.f32 v60, v18;
	v49 =	vmul.f32 v30, v9;
	[tilespmem:s0+$0xFFFFFFC0] =	vst v61  }
0x19e: {  	v31 =	vmin.f32 v31, $1.000000000e+00;
	v48 =	vmul.f32 v30, v11;
	v47 =	vmul.f32 v30, v17;
	[tilespmem:s8+$0xFFFFFFC0] =	vst v27  }
0x19f: {  	v30 =	vmin.f32 v59, $1.000000000e+00;
	v46 =	vmul.f32 v31, v8;
	v26 =	vmul.f32 v31, v12;
	[tilespmem:s21+$0xFFFFFFC0] =	vst v54  }
0x1a0: {  	v63 =	vadd.f32 $-1.000000000e+00, v58;
	v43 =	vmul.f32 v30, v4;
	v42 =	vmul.f32 v30, v5;
	[tilespmem:s14+$0xFFFFFFC0] =	vst v56  }
0x1a1: {  	v40 =	vmul.f32 v30, v15;
	v27 =	vmul.f32 v31, v16;
	v31 =	vmin.f32 v62, $1.000000000e+00;
	[tilespmem:s15+$0xFFFFFFC0] =	vst v34  }
0x1a2: {  	s19 =	simm.s32 $0x0;
	s22 =	simm.s32 $0xA0C0;
	v32 =	vmin.f32 v63, $1.000000000e+00;
	v35 =	vmul.f32 v31, v3;
	v34 =	vmul.f32 v31, v6;
	[tilespmem:s16+$0xFFFFFFC0] =	vst v45  }
.LBB2_5:
0x1a3: {  	v30 =	vld [tilespmem:s22+$0x30];
	[tilespmem:s30+$0xFFFFFFD0] =	vst v37;
	v45 =	vmul.f32 v31, v14;
	v38 =	vmul.f32 v32, v1;
	s28 =	sadd.s32 $0x80, s28  }
0x1a4: {  	v39 =	vmul.f32 v32, v2;
	v37 =	vmul.f32 v32, v7;
	v31 =	vld [tilespmem:s28+$0x30];
	[tilespmem:s0+$0xFFFFFFD0] =	vst v22  }
0x1a5: {  	v51 =	vmul.f32 v44, v13;
	s29 =	sadd.s32 $0x80, s29;
	v22 =	vld [tilespmem:s28+$0xFFFFFFC0];
	[tilespmem:s8+$0xFFFFFFD0] =	vst v50;
	v50 =	vmul.f32 v44, v10  }
0x1a6: {  	v18 =	vmul.f32 v44, v18;
	v44 =	vmul.f32 v41, v9;
	v32 =	vld [tilespmem:s29+$0x30];
	[tilespmem:s30+$0xFFFFFFE0] =	vst v49  }
0x1a7: {  	v17 =	vmul.f32 v41, v17;
	v49 =	vmul.f32 v41, v11;
	v10 =	vld [tilespmem:s22+$0xFFFFFFD0];
	[tilespmem:s21+$0xFFFFFFD0] =	vst v50  }
0x1a8: {  	v41 =	vmul.f32 v36, v8;
	v50 =	vmul.f32 v36, v12;
	v13 =	vld [tilespmem:s28+$0xFFFFFFD0];
	[tilespmem:s14+$0xFFFFFFD0] =	vst v51  }
0x1a9: {  	v12 =	vmul.f32 v30, v30;
	v9 =	vld [tilespmem:s22+$0xFFFFFFE0];
	v51 =	vmul.f32 v31, v31;
	[tilespmem:s15+$0xFFFFFFD0] =	vst v18  }
0x1aa: {  	s19 =	sadd.s32 $0x8, s19;
	v16 =	vmul.f32 v36, v16;
	v52 =	vmul.f32 v22, v22;
	v11 =	vld [tilespmem:s28+$0xFFFFFFE0];
	[tilespmem:s16+$0xFFFFFFD0] =	vst v28  }
0x1ab: {  	p0 =	slt.u32 s19, $0xF8;
	v36 =	vmul.f32 v33, v4;
	v8 =	vld [tilespmem:s22+$0xFFFFFFF0];
	v18 =	vadd.f32 v51, v12;
	v28 =	vmul.f32 v32, v32;
	[tilespmem:s0+$0xFFFFFFE0] =	vst v48  }
0x1ac: {  	v48 =	vmul.f32 v10, v10;
	v12 =	vld [tilespmem:s28+$0xFFFFFFF0];
	[tilespmem:s8+$0xFFFFFFE0] =	vst v47;
	v47 =	vmul.f32 v33, v5  }
0x1ad: {  	v33 =	vmul.f32 v33, v15;
	v51 =	vmul.f32 v13, v13;
	v4 =	vld [tilespmem:s22+$0x0];
	v28 =	vadd.f32 v28, v18;
	[tilespmem:s21+$0xFFFFFFE0] =	vst v44  }
0x1ae: {  	v44 =	vmul.f32 v29, v3;
	v15 =	vmul.f32 v9, v9;
	v5 =	vld [tilespmem:s28+$0x0];
	[tilespmem:s14+$0xFFFFFFE0] =	vst v49  }
0x1af: {  	v18 =	vmul.f32 v11, v11;
	v3 =	vld [tilespmem:s22+$0x10];
	v49 =	vshrl.u32 v28, $0x1;
	v53 =	vmul.f32 $5.000000000e-01, v28;
	[tilespmem:s15+$0xFFFFFFE0] =	vst v17  }
0x1b0: {  	v48 =	vadd.f32 v51, v48;
	v17 =	vmul.f32 v8, v8;
	v51 =	vld [tilespmem:s28+$0x10];
	v49 =	vsub.s32 $0x5F3759DF, v49;
	[tilespmem:s16+$0xFFFFFFE0] =	vst v25  }
0x1b1: {  	v25 =	vadd.f32 v18, v15;
	v15 =	vmul.f32 v12, v12;
	v54 =	vld [tilespmem:s22+$0x20];
	v18 =	vmul.f32 v49, v53;
	[tilespmem:s30+$0xFFFFFFF0] =	vst v46  }
0x1b2: {  	v56 =	vmul.f32 v29, v6;
	v46 =	vmul.f32 v4, v4;
	v55 =	vld [tilespmem:s28+$0x20];
	[tilespmem:s0+$0xFFFFFFF0] =	vst v26  }
0x1b3: {  	v26 =	vld [tilespmem:s22+$0xFFFFFFC0];
	v57 =	vadd.f32 v15, v17;
	v17 =	vmul.f32 v5, v5;
	v15 =	vmul.f32 v49, v18;
	[tilespmem:s8+$0xFFFFFFF0] =	vst v27  }
0x1b4: {  	v27 =	vld [tilespmem:s29+$0xFFFFFFC0];
	v58 =	vmul.f32 v3, v3;
	[tilespmem:s21+$0xFFFFFFF0] =	vst v41;
	v41 =	vmul.f32 v29, v14  }
0x1b5: {  	v18 =	vld [tilespmem:s29+$0xFFFFFFD0];
	v29 =	vadd.f32 v17, v46;
	v14 =	vmul.f32 v51, v51;
	v15 =	vsub.f32 $1.500000000e+00, v15;
	[tilespmem:s14+$0xFFFFFFF0] =	vst v50;
	v6 =	vmovc v51  }
0x1b6: {  	v50 =	vmul.f32 v24, v1;
	v17 =	vld [tilespmem:s29+$0xFFFFFFE0];
	v46 =	vmul.f32 v54, v54;
	[tilespmem:s15+$0xFFFFFFF0] =	vst v16;
	v1 =	vmov v54  }
0x1b7: {  	v16 =	vld [tilespmem:s29+$0xFFFFFFF0];
	v51 =	vadd.f32 v14, v58;
	v54 =	vmul.f32 v55, v55;
	v49 =	vmul.f32 v49, v15;
	[tilespmem:s16+$0xFFFFFFF0] =	vst v23  }
0x1b8: {  	v23 =	vmul.f32 v26, v26;
	v15 =	vld [tilespmem:s29+$0x0];
	[tilespmem:s30+$0x0] =	vst v43;
	v43 =	vmul.f32 v24, v2;
	v2 =	vmov v55  }
0x1b9: {  	v55 =	vmul.f32 v27, v27;
	v14 =	vld [tilespmem:s29+$0x10];
	v46 =	vadd.f32 v54, v46;
	v54 =	vmul.f32 v49, v53;
	[tilespmem:s0+$0x0] =	vst v42  }
0x1ba: {  	v23 =	vadd.f32 v52, v23;
	v42 =	vmul.f32 v18, v18;
	[tilespmem:s8+$0x0] =	vst v40;
	v40 =	vmul.f32 v24, v7;
	v7 =	vld [tilespmem:s29+$0x20]  }
0x1bb: {  	v24 =	vmul.f32 v17, v17;
	v52 =	vmul.f32 v54, v49;
	[tilespmem:s21+$0x0] =	vst v36  }
0x1bc: {  	v23 =	vadd.f32 v55, v23;
	v42 =	vadd.f32 v42, v48;
	v36 =	vmul.f32 v16, v16;
	[tilespmem:s14+$0x0] =	vst v47  }
0x1bd: {  	v25 =	vadd.f32 v24, v25;
	v24 =	vmul.f32 v15, v15;
	v47 =	vsub.f32 $1.500000000e+00, v52;
	[tilespmem:s15+$0x0] =	vst v33  }
0x1be: {  	v48 =	vshrl.u32 v23, $0x1;
	v52 =	vadd.f32 v36, v57;
	v33 =	vmul.f32 v14, v14;
	[tilespmem:s16+$0x0] =	vst v21  }
0x1bf: {  	v54 =	vadd.f32 v24, v29;
	v29 =	vmul.f32 v7, v7;
	v47 =	vmul.f32 v47, v49;
	[tilespmem:s30+$0x10] =	vst v35  }
0x1c0: {  	v21 =	vmul.f32 $5.000000000e-01, v23;
	v49 =	vshrl.u32 v42, $0x1;
	v51 =	vadd.f32 v33, v51;
	[tilespmem:s0+$0x10] =	vst v34  }
0x1c1: {  	v24 =	vmul.f32 $5.000000000e-01, v42;
	v46 =	vadd.f32 v29, v46;
	v34 =	vmul.f32 v47, v53;
	[tilespmem:s8+$0x10] =	vst v45  }
0x1c2: {  	v45 =	vshrl.u32 v25, $0x1;
	v29 =	vmul.f32 $5.000000000e-01, v25;
	v53 =	vshrl.u32 v52, $0x1;
	[tilespmem:s21+$0x10] =	vst v44  }
0x1c3: {  	v33 =	vmul.f32 $5.000000000e-01, v52;
	v44 =	vshrl.u32 v54, $0x1;
	v55 =	vmul.f32 v34, v47;
	[tilespmem:s14+$0x10] =	vst v56  }
0x1c4: {  	v35 =	vmul.f32 $5.000000000e-01, v54;
	v56 =	vshrl.u32 v51, $0x1;
	v34 =	vmul.f32 $5.000000000e-01, v51;
	[tilespmem:s15+$0x10] =	vst v41  }
0x1c5: {  	v36 =	vmul.f32 $5.000000000e-01, v46;
	v41 =	vshrl.u32 v46, $0x1;
	v55 =	vsub.f32 $1.500000000e+00, v55;
	[tilespmem:s16+$0x10] =	vst v20  }
0x1c6: {  	v45 =	vsub.s32 $0x5F3759DF, v45;
	v20 =	vsub.s32 $0x5F3759DF, v48;
	v48 =	vsub.s32 $0x5F3759DF, v49;
	[tilespmem:s30+$0x20] =	vst v38  }
0x1c7: {  	v44 =	vsub.s32 $0x5F3759DF, v44;
	v38 =	vsub.s32 $0x5F3759DF, v53;
	v47 =	vmul.f32 v55, v47;
	[tilespmem:s0+$0x20] =	vst v39  }
0x1c8: {  	v49 =	vsub.s32 $0x5F3759DF, v56;
	v41 =	vsub.s32 $0x5F3759DF, v41;
	v39 =	vmul.f32 v20, v21;
	[tilespmem:s8+$0x20] =	vst v37  }
0x1c9: {  	v53 =	vmul.f32 v45, v29;
	v37 =	vmul.f32 v48, v24;
	v55 =	vadd.f32 v47, v47;
	[tilespmem:s21+$0x20] =	vst v50  }
0x1ca: {  	vm0 =	vgt.f32 v23, $1.000000000e+00;
	v23 =	vmul.f32 v38, v33;
	v50 =	vmul.f32 v44, v35;
	[tilespmem:s14+$0x20] =	vst v43  }
0x1cb: {  	v56 =	vmul.f32 v41, v36;
	v43 =	vmul.f32 v49, v34;
	v55 =	vadd.f32 $-1.000000000e+00, v55;
	[tilespmem:s15+$0x20] =	vst v40  }
0x1cc: {  	vm1 =	vgt.f32 v42, $1.000000000e+00;
	v39 =	vmul.f32 v20, v39;
	v37 =	vmul.f32 v48, v37;
	[tilespmem:s16+$0x20] =	vst v19  }
0x1cd: {  	v23 =	vmul.f32 v38, v23;
	v19 =	vmul.f32 v45, v53;
	v40 =	vmin.f32 v55, $1.000000000e+00  }
0x1ce: {  	v39 =	vsub.f32 $1.500000000e+00, v39;
	v42 =	vmul.f32 v44, v50;
	v50 =	vmul.f32 v40, v30  }
0x1cf: {  	s30 =	sadd.s32 $0x80, s30;
	v37 =	vsub.f32 $1.500000000e+00, v37;
	v43 =	vmul.f32 v49, v43;
	v53 =	vmul.f32 v40, v31  }
0x1d0: {  	s0 =	sadd.s32 $0x80, s0;
	v55 =	vmul.f32 v41, v56;
	v19 =	vsub.f32 $1.500000000e+00, v19;
	v40 =	vmul.f32 v40, v32;
	[tilespmem:s30+$0x30] =	vst v50  }
0x1d1: {  	s8 =	sadd.s32 $0x80, s8;
	v23 =	vsub.f32 $1.500000000e+00, v23;
	v42 =	vsub.f32 $1.500000000e+00, v42;
	v30 =	vmul.f32 v47, v30;
	[tilespmem:s0+$0x30] =	vst v53  }
0x1d2: {  	s21 =	sadd.s32 $0x80, s21;
	v43 =	vsub.f32 $1.500000000e+00, v43;
	v31 =	vmul.f32 v47, v31;
	v50 =	vsub.f32 $1.500000000e+00, v55;
	[tilespmem:s8+$0x30] =	vst v40  }
0x1d3: {  	vm2 =	vgt.f32 v25, $1.000000000e+00;
	v25 =	vmul.f32 v47, v32;
	s14 =	sadd.s32 $0x80, s14;
	v20 =	vmul.f32 v20, v39;
	[tilespmem:s21+$0x30] =	vst v30  }
0x1d4: {  	vm3 =	vgt.f32 v28, $1.000000000e+00;
	s15 =	sadd.s32 $0x80, s15;
	v32 =	vmul.f32 v48, v37;
	v19 =	vmul.f32 v45, v19;
	[tilespmem:s14+$0x30] =	vst v31  }
0x1d5: {  	s16 =	sadd.s32 $0x80, s16;
	v23 =	vmul.f32 v38, v23;
	v31 =	vmul.f32 v44, v42;
	[tilespmem:s15+$0x30] =	vst v25;
	v25 =	vsel vm3, $0x1, v0  }
0x1d6: {  	v37 =	vmul.f32 v49, v43;
	v38 =	vmul.f32 v41, v50;
	vm3 =	vgt.f32 v52, $1.000000000e+00;
	[tilespmem:s16+$0x30] =	vst v25  }
0x1d7: {  	vm4 =	vgt.f32 v54, $1.000000000e+00;
	v28 =	vmul.f32 v32, v24;
	v25 =	vmul.f32 v20, v21  }
0x1d8: {  	vm5 =	vgt.f32 v51, $1.000000000e+00;
	v39 =	vmul.f32 v19, v29;
	v40 =	vmul.f32 v23, v33  }
0x1d9: {  	vm6 =	vgt.f32 v46, $1.000000000e+00;
	v42 =	vmul.f32 v37, v34;
	v41 =	vmul.f32 v31, v35  }
0x1da: {  	v30 =	vsel vm0, $0x1, v0;
	v43 =	vmul.f32 v38, v36;
	v25 =	vmul.f32 v25, v20  }
0x1db: {  	v44 =	vmul.f32 v28, v32;
	v28 =	vsel vm1, $0x1, v0;
	v39 =	vmul.f32 v39, v19  }
0x1dc: {  	v40 =	vmul.f32 v40, v23;
	v41 =	vmul.f32 v41, v31;
	v25 =	vsub.f32 $1.500000000e+00, v25  }
0x1dd: {  	v44 =	vsub.f32 $1.500000000e+00, v44;
	v42 =	vmul.f32 v42, v37;
	v43 =	vmul.f32 v43, v38  }
0x1de: {  	v45 =	vmul.f32 v25, v20;
	v20 =	vsub.f32 $1.500000000e+00, v39;
	v25 =	vsub.f32 $1.500000000e+00, v40  }
0x1df: {  	v32 =	vmul.f32 v44, v32;
	v39 =	vsub.f32 $1.500000000e+00, v41;
	v40 =	vsub.f32 $1.500000000e+00, v42  }
0x1e0: {  	v41 =	vmul.f32 v20, v19;
	v42 =	vmul.f32 v25, v23;
	v19 =	vsub.f32 $1.500000000e+00, v43  }
0x1e1: {  	v25 =	vsel vm2, $0x1, v0;
	v31 =	vmul.f32 v39, v31;
	v37 =	vmul.f32 v40, v37  }
0x1e2: {  	v39 =	vmul.f32 v45, v21;
	v23 =	vsel vm3, $0x1, v0;
	v38 =	vmul.f32 v19, v38  }
0x1e3: {  	v24 =	vmul.f32 v32, v24;
	v21 =	vsel vm4, $0x1, v0;
	v29 =	vmul.f32 v41, v29  }
0x1e4: {  	v20 =	vsel vm5, $0x1, v0;
	v33 =	vmul.f32 v42, v33;
	v35 =	vmul.f32 v31, v35  }
0x1e5: {  	v34 =	vmul.f32 v37, v34;
	v19 =	vsel vm6, $0x1, v0;
	v36 =	vmul.f32 v38, v36  }
0x1e6: {  	v24 =	vmul.f32 v24, v32;
	v39 =	vmul.f32 v39, v45  }
0x1e7: {  	v29 =	vmul.f32 v29, v41;
	v33 =	vmul.f32 v33, v42  }
0x1e8: {  	v39 =	vsub.f32 $1.500000000e+00, v39;
	v35 =	vmul.f32 v35, v31;
	v34 =	vmul.f32 v34, v37  }
0x1e9: {  	v24 =	vsub.f32 $1.500000000e+00, v24;
	v29 =	vsub.f32 $1.500000000e+00, v29;
	v36 =	vmul.f32 v36, v38  }
0x1ea: {  	v39 =	vmul.f32 v39, v45;
	v33 =	vsub.f32 $1.500000000e+00, v33;
	v35 =	vsub.f32 $1.500000000e+00, v35  }
0x1eb: {  	v44 =	vmul.f32 v24, v32;
	v24 =	vsub.f32 $1.500000000e+00, v34;
	v32 =	vsub.f32 $1.500000000e+00, v36  }
0x1ec: {  	v34 =	vadd.f32 v39, v39;
	v41 =	vmul.f32 v29, v41;
	v36 =	vmul.f32 v33, v42  }
0x1ed: {  	v40 =	vadd.f32 v44, v44;
	v33 =	vmul.f32 v35, v31;
	v29 =	vmul.f32 v24, v37  }
0x1ee: {  	v31 =	vadd.f32 v41, v41;
	v35 =	vadd.f32 v36, v36;
	v24 =	vmul.f32 v32, v38  }
0x1ef: {  	v38 =	vmul.f32 v39, v26;
	v32 =	vadd.f32 v33, v33;
	v37 =	vadd.f32 v29, v29  }
0x1f0: {  	v42 =	vmul.f32 v39, v22;
	v34 =	vadd.f32 $-1.000000000e+00, v34;
	v43 =	vadd.f32 v24, v24  }
0x1f1: {  	v40 =	vadd.f32 $-1.000000000e+00, v40;
	v39 =	vmul.f32 v39, v27;
	v31 =	vadd.f32 $-1.000000000e+00, v31  }
0x1f2: {  	v34 =	vmin.f32 v34, $1.000000000e+00;
	v35 =	vadd.f32 $-1.000000000e+00, v35;
	v32 =	vadd.f32 $-1.000000000e+00, v32  }
0x1f3: {  	v40 =	vmin.f32 v40, $1.000000000e+00;
	v37 =	vadd.f32 $-1.000000000e+00, v37;
	v43 =	vadd.f32 $-1.000000000e+00, v43  }
0x1f4: {  	v45 =	vmin.f32 v31, $1.000000000e+00;
	v35 =	vmin.f32 v35, $1.000000000e+00;
	v51 =	vmin.f32 v32, $1.000000000e+00  }
0x1f5: {  	v26 =	vmul.f32 v34, v26;
	v31 =	vmin.f32 v37, $1.000000000e+00;
	v32 =	vmin.f32 v43, $1.000000000e+00  }
0x1f6: {  	v27 =	vmul.f32 v34, v27;
	v43 =	vmul.f32 v34, v22  }
0x1f7: {  	v37 =	vmul.f32 v40, v10;
	v22 =	vmul.f32 v40, v13;
	[tilespmem:s30+$0xFFFFFFC0] =	vst v26  }
0x1f8: {  	v50 =	vmul.f32 v40, v18;
	v49 =	vmul.f32 v45, v9;
	[tilespmem:s0+$0xFFFFFFC0] =	vst v43  }
.Ltmp1:
0x1f9: {  	v48 =	vmul.f32 v45, v11;
	v47 =	vmul.f32 v45, v17;
	[tilespmem:s8+$0xFFFFFFC0] =	vst v27;
	(pc) =	sbr.rel @p0 .LBB2_5-.Ltmp1, $4  }
0x1fa: {  	v46 =	vmul.f32 v35, v8;
	v26 =	vmul.f32 v35, v12;
	[tilespmem:s21+$0xFFFFFFC0] =	vst v38  }
0x1fb: {  	v43 =	vmul.f32 v51, v4;
	v27 =	vmul.f32 v35, v16;
	[tilespmem:s14+$0xFFFFFFC0] =	vst v42  }
0x1fc: {  	v40 =	vmul.f32 v51, v15;
	v42 =	vmul.f32 v51, v5;
	[tilespmem:s15+$0xFFFFFFC0] =	vst v39  }
0x1fd: {  	s22 =	sadd.s32 $0x80, s22;
	v34 =	vmul.f32 v31, v6;
	v35 =	vmul.f32 v31, v3;
	[tilespmem:s16+$0xFFFFFFC0] =	vst v30  }
0x1fe: {  	[tilespmem:s30+$0xFFFFFFD0] =	vst v37  }
0x1ff: {  	[tilespmem:s30+$0xFFFFFFE0] =	vst v49  }
0x200: {  	[tilespmem:s30+$0xFFFFFFF0] =	vst v46  }
0x201: {  	[tilespmem:s30+$0x0] =	vst v43  }
0x202: {  	[tilespmem:s0+$0xFFFFFFD0] =	vst v22  }
0x203: {  	[tilespmem:s0+$0xFFFFFFE0] =	vst v48  }
0x204: {  	[tilespmem:s0+$0xFFFFFFF0] =	vst v26  }
0x205: {  	[tilespmem:s0+$0x0] =	vst v42  }
0x206: {  	[tilespmem:s30+$0x10] =	vst v35  }
0x207: {  	[tilespmem:s8+$0xFFFFFFD0] =	vst v50  }
0x208: {  	[tilespmem:s8+$0xFFFFFFE0] =	vst v47  }
0x209: {  	[tilespmem:s8+$0xFFFFFFF0] =	vst v27  }
0x20a: {  	v10 =	vmul.f32 v44, v10;
	[tilespmem:s8+$0x0] =	vst v40  }
0x20b: {  	v9 =	vmul.f32 v41, v9;
	[tilespmem:s0+$0x10] =	vst v34  }
0x20c: {  	v8 =	vmul.f32 v36, v8;
	[tilespmem:s21+$0xFFFFFFD0] =	vst v10  }
0x20d: {  	v4 =	vmul.f32 v33, v4;
	[tilespmem:s21+$0xFFFFFFE0] =	vst v9  }
0x20e: {  	v59 =	vmul.f32 v31, v14;
	[tilespmem:s21+$0xFFFFFFF0] =	vst v8  }
0x20f: {  	v13 =	vmul.f32 v44, v13;
	[tilespmem:s21+$0x0] =	vst v4  }
0x210: {  	v54 =	vmul.f32 v41, v11;
	[tilespmem:s8+$0x10] =	vst v59  }
0x211: {  	v56 =	vmul.f32 v36, v12;
	[tilespmem:s14+$0xFFFFFFD0] =	vst v13  }
0x212: {  	v5 =	vmul.f32 v33, v5;
	[tilespmem:s14+$0xFFFFFFE0] =	vst v54  }
0x213: {  	v3 =	vmul.f32 v29, v3;
	[tilespmem:s14+$0xFFFFFFF0] =	vst v56  }
0x214: {  	v18 =	vmul.f32 v44, v18;
	[tilespmem:s14+$0x0] =	vst v5  }
0x215: {  	v55 =	vmul.f32 v41, v17;
	[tilespmem:s21+$0x10] =	vst v3  }
0x216: {  	v57 =	vmul.f32 v36, v16;
	[tilespmem:s15+$0xFFFFFFD0] =	vst v18  }
0x217: {  	v58 =	vmul.f32 v33, v15;
	[tilespmem:s15+$0xFFFFFFE0] =	vst v55  }
0x218: {  	v60 =	vmul.f32 v29, v6;
	[tilespmem:s15+$0xFFFFFFF0] =	vst v57  }
0x219: {  	[tilespmem:s15+$0x0] =	vst v58  }
0x21a: {  	[tilespmem:s14+$0x10] =	vst v60  }
0x21b: {  	[tilespmem:s16+$0xFFFFFFD0] =	vst v28  }
0x21c: {  	[tilespmem:s16+$0xFFFFFFE0] =	vst v25  }
0x21d: {  	v61 =	vmul.f32 v29, v14;
	[tilespmem:s16+$0xFFFFFFF0] =	vst v23  }
0x21e: {  	v3 =	vmul.f32 v32, v1;
	[tilespmem:s16+$0x0] =	vst v21  }
0x21f: {  	[tilespmem:s15+$0x10] =	vst v61  }
0x220: {  	v62 =	vmul.f32 v32, v2;
	[tilespmem:s30+$0x20] =	vst v3  }
0x221: {  	v63 =	vmul.f32 v32, v7;
	[tilespmem:s16+$0x10] =	vst v20  }
0x222: {  	v1 =	vmul.f32 v24, v1;
	[tilespmem:s0+$0x20] =	vst v62  }
0x223: {  	v2 =	vmul.f32 v24, v2;
	[tilespmem:s8+$0x20] =	vst v63  }
0x224: {  	v3 =	vmul.f32 v24, v7;
	[tilespmem:s21+$0x20] =	vst v1  }
0x225: {  	[tilespmem:s14+$0x20] =	vst v2  }
0x226: {  	[tilespmem:s15+$0x20] =	vst v3  }
0x227: {  	s31 =	simm.s32 $0xD000;
	s30 =	sadd.s32 s5, s26;
	[tilespmem:s16+$0x20] =	vst v19  }
0x228: {  	[hbm4b:s30+s3] =	stream.linear.scatter [tilespmem:s31], [sflag:$0x4], $0x1000, $0x38;
	[tilespmem:$0x14000] =	vst v63  }
0x229: {  	s8 =	sadd.s32 s6, s26;
	s14 =	simm.s32 $0xE000  }
0x22a: {  	[hbm4b:s8+s3] =	stream.linear.scatter [tilespmem:s14], [sflag:$0x4], $0x1000, $0x38;
	[tilespmem:$0x14000] =	vst v63  }
0x22b: {  	s15 =	sadd.s32 s7, s26;
	s16 =	simm.s32 $0xF000  }
0x22c: {  	[hbm4b:s15+s3] =	stream.linear.scatter [tilespmem:s16], [sflag:$0x4], $0x1000, $0x38;
	[tilespmem:$0x14000] =	vst v63  }
0x22d: {  	s19 =	sadd.s32 s9, s26;
	s24 =	sadd.s32 $0x1, s24;
	s21 =	simm.s32 $0x10000  }
0x22e: {  	[hbm4b:s19+s3] =	stream.linear.scatter [tilespmem:s21], [sflag:$0x4], $0x1000, $0x38;
	[tilespmem:$0x14000] =	vst v63  }
0x22f: {  	s22 =	sadd.s32 s10, s26;
	s28 =	simm.s32 $0x11000;
	p0 =	sne.s32 s24, $0x8  }
0x230: {  	[hbm4b:s22+s3] =	stream.linear.scatter [tilespmem:s28], [sflag:$0x4], $0x1000, $0x38;
	[tilespmem:$0x14000] =	vst v63  }
.Ltmp2:
0x231: {  	_ = 	snop;
	(pc) =	sbr.rel @p0 .LBB2_2-.Ltmp2, $4  }
0x232: {  	s29 =	sadd.s32 s11, s26;
	s30 =	simm.s32 $0x12000  }
0x233: {  	[hbm4b:s29+s3] =	stream.linear.scatter [tilespmem:s30], [sflag:$0x4], $0x1000, $0x38;
	[tilespmem:$0x14000] =	vst v63  }
0x234: {  	s31 =	sadd.s32 s12, s26  }
0x235: {  	[hbm4b:s31+s3] =	stream.linear.scatter [tilespmem:s23], [sflag:$0x4], $0x1000, $0x38;
	[tilespmem:$0x14000] =	vst v63  }
0x236: {  	s0 =	simm.s32 $0x3  }
0x237: {  	_ =	swait.ge [sflag:s0], $0x1000  }
0x238: {  	[sflag:s0] =	ssyncset.done $0x0  }
0x239: {  	[sflag:s0] =	ssyncadd.s32 $0xFFFFF000  }
0x23a: {  	_ =	swait.ge [sflag:s0], $0x1000  }
0x23b: {  	[sflag:s0] =	ssyncset.done $0x0  }
0x23c: {  	[sflag:s0] =	ssyncadd.s32 $0xFFFFF000  }
0x23d: {  	_ =	swait.ge [sflag:s0], $0x1000  }
0x23e: {  	[sflag:s0] =	ssyncset.done $0x0  }
0x23f: {  	[sflag:s0] =	ssyncadd.s32 $0xFFFFF000  }
0x240: {  	_ =	swait.ge [sflag:s0], $0x1000  }
0x241: {  	[sflag:s0] =	ssyncset.done $0x0  }
0x242: {  	[sflag:s0] =	ssyncadd.s32 $0xFFFFF000  }
0x243: {  	_ =	swait.ge [sflag:s0], $0x1000  }
0x244: {  	[sflag:s0] =	ssyncset.done $0x0  }
0x245: {  	[sflag:s0] =	ssyncadd.s32 $0xFFFFF000  }
0x246: {  	_ =	swait.ge [sflag:s0], $0x1000  }
0x247: {  	[sflag:s0] =	ssyncset.done $0x0  }
0x248: {  	[sflag:s0] =	ssyncadd.s32 $0xFFFFF000  }
0x249: {  	_ =	swait.ge [sflag:s0], $0x1000  }
0x24a: {  	[sflag:s0] =	ssyncset.done $0x0  }
0x24b: {  	s8 =	simm.s32 $0x4;
	[sflag:s0] =	ssyncadd.s32 $0xFFFFF000  }
0x24c: {  	_ =	swait.ge [sflag:s8], $0x1000  }
0x24d: {  	[sflag:s8] =	ssyncset.done $0x0  }
0x24e: {  	[sflag:s8] =	ssyncadd.s32 $0xFFFFF000  }
0x24f: {  	_ =	swait.ge [sflag:s8], $0x1000  }
0x250: {  	[sflag:s8] =	ssyncset.done $0x0  }
0x251: {  	[sflag:s8] =	ssyncadd.s32 $0xFFFFF000  }
0x252: {  	_ =	swait.ge [sflag:s8], $0x1000  }
0x253: {  	[sflag:s8] =	ssyncset.done $0x0  }
0x254: {  	[sflag:s8] =	ssyncadd.s32 $0xFFFFF000  }
0x255: {  	_ =	swait.ge [sflag:s8], $0x1000  }
0x256: {  	[sflag:s8] =	ssyncset.done $0x0  }
0x257: {  	[sflag:s8] =	ssyncadd.s32 $0xFFFFF000  }
0x258: {  	_ =	swait.ge [sflag:s8], $0x1000  }
0x259: {  	[sflag:s8] =	ssyncset.done $0x0  }
0x25a: {  	[sflag:s8] =	ssyncadd.s32 $0xFFFFF000  }
0x25b: {  	_ =	swait.ge [sflag:s8], $0x1000  }
0x25c: {  	[sflag:s8] =	ssyncset.done $0x0  }
0x25d: {  	[sflag:s8] =	ssyncadd.s32 $0xFFFFF000  }
0x25e: {  	_ =	swait.ge [sflag:s8], $0x1000  }
0x25f: {  	s14 =	rddreg [dreg:$0x8]  }
0x260: {  	s31 =	rddreg [dreg:$0x7];
	s14 =	sadd.s32 $0x1, s14  }
0x261: {  	p0 =	sne.s32 s14, s31  }
.Ltmp3:
0x262: {  	_ = 	snop;
	(pc) =	sbr.rel @p0 .LBB2_1-.Ltmp3, $3  }
0x263: {  	_ =	sdelay $0x1  }
0x264: {  	[sflag:s8] =	ssyncset.done $0x0  }
0x265: {  	[sflag:s8] =	ssyncadd.s32 $0xFFFFF000  }
0x266: {  	_ =	sfence.sel $0x180000  }
0x267: {  	[bflag:$0x0] =	sbarrier.arrive $0xFFFF  }
0x268: {  	_ =	strace $0x90000047  }
0x269: {  	s0 =	stileid.u32;
	[bflag:$0x2] =	sbarrier.arrive $0xFFFF  }
0x26a: {  	p0 =	sne.s32 s0, $0x0;
	s0 =	rddreg [dreg:$0x3]  }
0x26b: {  	s0 =	sadd.s32 @!p0 $0x100000, s0  }
0x26c: {  	[sflag:s0] =	ssyncadd.tile.s32 @!p0 $0x1;
	_ =	shalt  }
.Lfunc_end2:
_tile_overlayer_lowered:
.L_overlay_start_2:
0x26d: {  	(tag) =	ssettag $0x2  }
0x26e: {  	s0 =	rddreg [dreg:$0x0];
	s2 =	stileid.u32  }
0x26f: {  	s1 =	rddreg [dreg:$0x1];
	p0 =	sne.s32 s2, $0x0  }
0x270: {  	s3 =	rddreg [dreg:$0x2];
	[bflag:$0x3] =	sbarrier.arrive $0xFFFF;
	s2 =	simm.s32 @!p0 $0x1C05  }
0x271: {  	[timem:s3], [sflag:s2] =	dma.local @!p0 [hbm:s0], s1  }
0x272: {  	s0 =	simm.s32 @!p0 $0x5  }
0x273: {  	_ =	swait.ge @!p0 [sflag:s0], s1  }
0x274: {  	s1 =	ssub.s32 @!p0 $0x0, s1;
	[sflag:s0] =	ssyncset.done @!p0 $0x0  }
0x275: {  	[sflag:s0] =	ssyncadd.s32 @!p0 s1  }
0x276: {  	[bflag:$0x3] =	sbarrier.arrive $0xFFFF  }
0x277: {  	_ =	shalt  }

</sc_bundles>
